<compile_context>
chip_gen: v7x
topology: tpu7x:2x2x1
jax: 0.10.2.dev20260603
libtpu: 0.0.44.dev20260713+nightly
codegen_flags: <defaults>
</compile_context>

<pallas_src>
import functools

import jax
import jax.numpy as jnp
from jax import lax
from jax.experimental import pallas as pl
from jax.experimental.pallas import tpu as pltpu
from jax.experimental.pallas import tpu_sc as plsc

_K = 16
_FMAX = 3.0e38
_CT = 512


def _knn_kernel(pos_ref, posT_ref, batch_ref, batchT_ref, idx_ref):
    i = pl.program_id(0)
    blk = pos_ref.shape[0]
    n = posT_ref.shape[1]

    pos_b = pos_ref[...]
    px = pos_b[:, 0:1]
    py = pos_b[:, 1:2]
    pz = pos_b[:, 2:3]
    sq_b = px * px + py * py + pz * pz
    batch_b = batch_ref[...]
    rowid = i * blk + lax.broadcasted_iota(jnp.int32, (blk, 1), 0)

    batch_row = batchT_ref[...]
    col_row = lax.broadcasted_iota(jnp.int32, (1, n), 1)
    bmin = jnp.min(batch_b)
    bmax = jnp.max(batch_b)
    start = jnp.min(jnp.where(batch_row == bmin, col_row, n))
    end = jnp.max(jnp.where(batch_row == bmax, col_row + 1, 0))
    t0 = start // _CT
    t1 = (end + _CT - 1) // _CT

    lane16 = lax.broadcasted_iota(jnp.int32, (blk, _K), 1)

    def body(j, carry):
        cur_val, cur_idx = carry
        c = j * _CT
        q = posT_ref[:, pl.ds(c, _CT)]
        qx = q[0:1, :]
        qy = q[1:2, :]
        qz = q[2:3, :]
        dot = px * qx + py * qy + pz * qz
        sq_t = qx * qx + qy * qy + qz * qz
        d = sq_b + sq_t - 2.0 * dot
        gidx = c + lax.broadcasted_iota(jnp.int32, (blk, _CT), 1)
        bt = batchT_ref[:, pl.ds(c, _CT)]
        invalid = (batch_b != bt) | (gidx == rowid)
        d = jnp.where(invalid, _FMAX, d)

        arr_val = jnp.concatenate([cur_val, d], axis=1)
        arr_idx = jnp.concatenate([cur_idx, gidx], axis=1)
        new_val = cur_val
        new_idx = cur_idx
        for r in range(_K):
            mv = jnp.min(arr_val, axis=1, keepdims=True)
            ci = jnp.min(jnp.where(arr_val == mv, arr_idx, jnp.int32(2**30)),
                         axis=1, keepdims=True)
            new_val = jnp.where(lane16 == r, mv, new_val)
            new_idx = jnp.where(lane16 == r, ci, new_idx)
            arr_val = jnp.where((arr_val == mv) & (arr_idx == ci),
                                float("inf"), arr_val)
        return new_val, new_idx

    cur_val = jnp.full((blk, _K), float("inf"), jnp.float32)
    cur_idx = jnp.full((blk, _K), 2**30, jnp.int32)
    _, cur_idx = lax.fori_loop(t0, t1, body, (cur_val, cur_idx))
    idx_ref[...] = cur_idx


def _run_knn(pos, batch_i32, blk):
    n = pos.shape[0]
    grid = n // blk
    return pl.pallas_call(
        _knn_kernel,
        grid=(grid,),
        in_specs=[
            pl.BlockSpec((blk, 3), lambda i: (i, 0)),
            pl.BlockSpec((3, n), lambda i: (0, 0)),
            pl.BlockSpec((blk, 1), lambda i: (i, 0)),
            pl.BlockSpec((1, n), lambda i: (0, 0)),
        ],
        out_specs=pl.BlockSpec((blk, _K), lambda i: (i, 0)),
        out_shape=jax.ShapeDtypeStruct((n, _K), jnp.int32),
        compiler_params=pltpu.CompilerParams(
            dimension_semantics=("arbitrary",)),
    )(pos, pos.T, batch_i32.reshape(n, 1), batch_i32.reshape(1, n))


def _sc_gather(table, idx_flat, chunk=128):
    e = idx_flat.shape[0]
    d = table.shape[1]
    nw = 32
    per_w = e // nw
    steps = per_w // chunk
    mesh = plsc.VectorSubcoreMesh(core_axis_name="c", subcore_axis_name="s")

    @functools.partial(
        pl.kernel,
        out_type=jax.ShapeDtypeStruct((e, d), jnp.float32),
        mesh=mesh,
        scratch_types=[
            pltpu.VMEM((per_w,), jnp.int32),
            pltpu.VMEM((chunk, d), jnp.float32),
            pltpu.VMEM((chunk, d), jnp.float32),
            pltpu.SemaphoreType.DMA,
            pltpu.SemaphoreType.DMA,
        ],
        compiler_params=pltpu.CompilerParams(use_tc_tiling_on_sc=False),
    )
    def gather_kernel(tbl_hbm, idx_hbm, out_hbm, idx_v, rows_a, rows_b,
                      sem_a, sem_b):
        wid = lax.axis_index("s") * 2 + lax.axis_index("c")
        base = wid * per_w
        pltpu.sync_copy(idx_hbm.at[pl.ds(base, per_w)], idx_v)

        def body(j2, carry):
            o0 = 2 * j2 * chunk
            o1 = o0 + chunk
            cp0 = pltpu.async_copy(
                tbl_hbm.at[idx_v.at[pl.ds(o0, chunk)]], rows_a, sem_a)
            cp1 = pltpu.async_copy(
                tbl_hbm.at[idx_v.at[pl.ds(o1, chunk)]], rows_b, sem_b)
            cp0.wait()
            pltpu.sync_copy(rows_a, out_hbm.at[pl.ds(base + o0, chunk)])
            cp1.wait()
            pltpu.sync_copy(rows_b, out_hbm.at[pl.ds(base + o1, chunk)])
            return carry

        lax.fori_loop(0, steps // 2, body, 0)

    return gather_kernel(table, idx_flat)


def _ppf_t(pnjT, pniT):
    dx = pnjT[0:1, :] - pniT[0:1, :]
    dy = pnjT[1:2, :] - pniT[1:2, :]
    dz = pnjT[2:3, :] - pniT[2:3, :]
    nix, niy, niz = pniT[3:4, :], pniT[4:5, :], pniT[5:6, :]
    njx, njy, njz = pnjT[3:4, :], pnjT[4:5, :], pnjT[5:6, :]

    def safe_norm3(x, y, z):
        sq = x * x + y * y + z * z
        zero = sq < 1e-20
        return jnp.where(zero, 0.0, jnp.sqrt(jnp.where(zero, 1.0, sq)))

    def angle(ax, ay, az, bx, by, bz):
        cx = ay * bz - az * by
        cy = az * bx - ax * bz
        cz = ax * by - ay * bx
        cn = safe_norm3(cx, cy, cz)
        dot = ax * bx + ay * by + az * bz
        deg = (cn == 0.0) & (jnp.abs(dot) < 1e-12)
        return jnp.arctan2(cn, jnp.where(deg, 1.0, dot))

    f0 = safe_norm3(dx, dy, dz)
    f1 = angle(nix, niy, niz, dx, dy, dz)
    f2 = angle(njx, njy, njz, dx, dy, dz)
    f3 = angle(nix, niy, niz, njx, njy, njz)
    return jnp.concatenate([f0, f1, f2, f3], axis=0)


def _conv1_kernel(pnj_ref, pn_ref, w1_ref, b1_ref, w2_ref, b2_ref,
                  feats_ref, h_ref):
    blk = h_ref.shape[0]
    pnjT = jnp.transpose(pnj_ref[...])
    pnT = jnp.transpose(pn_ref[...])
    pniT = jnp.broadcast_to(pnT[:, :, None],
                            (16, blk, _K)).reshape(16, blk * _K)
    featsT = _ppf_t(pnjT, pniT)
    feats = jnp.transpose(featsT)
    b1 = b1_ref[...]
    b2 = b2_ref[...]
    w2 = w2_ref[...]
    m1 = jnp.dot(jax.nn.relu(
        jnp.dot(feats, w1_ref[...], preferred_element_type=jnp.float32)
        + b1), w2, preferred_element_type=jnp.float32) + b2
    mx = jnp.max(m1.reshape(blk, _K, 64), axis=1)
    m1_self = jnp.dot(jax.nn.relu(b1), w2,
                      preferred_element_type=jnp.float32) + b2
    feats_ref[...] = feats
    h_ref[...] = jax.nn.relu(jnp.maximum(mx, m1_self))


def _run_conv1(pnj, pn, w1, b1, w2, b2, blk):
    ne = pnj.shape[0]
    n = ne // _K
    grid = n // blk
    feats, h = pl.pallas_call(
        _conv1_kernel,
        grid=(grid,),
        in_specs=[
            pl.BlockSpec((blk * _K, 16), lambda i: (i, 0)),
            pl.BlockSpec((blk, 16), lambda i: (i, 0)),
            pl.BlockSpec((4, 64), lambda i: (0, 0)),
            pl.BlockSpec((1, 64), lambda i: (0, 0)),
            pl.BlockSpec((64, 64), lambda i: (0, 0)),
            pl.BlockSpec((1, 64), lambda i: (0, 0)),
        ],
        out_specs=[
            pl.BlockSpec((blk * _K, 4), lambda i: (i, 0)),
            pl.BlockSpec((blk, 64), lambda i: (i, 0)),
        ],
        out_shape=[
            jax.ShapeDtypeStruct((ne, 4), jnp.float32),
            jax.ShapeDtypeStruct((n, 64), jnp.float32),
        ],
        compiler_params=pltpu.CompilerParams(
            dimension_semantics=("arbitrary",)),
    )(pnj, pn, w1, b1, w2, b2)
    return feats, h


def _conv2_kernel(hg_ref, feats_ref, h_ref, batchT_ref,
                  w3h_ref, w3f_ref, b3_ref, w4_ref, b4_ref,
                  wc_ref, bc_ref,
                  s_ref, c_ref, out_ref):
    i = pl.program_id(0)
    nsteps = pl.num_programs(0)
    blk = h_ref.shape[0]

    w4 = w4_ref[...]
    b4 = b4_ref[...]
    a = jax.nn.relu(
        jnp.dot(hg_ref[...], w3h_ref[...], preferred_element_type=jnp.float32)
        + jnp.dot(feats_ref[...], w3f_ref[...],
                  preferred_element_type=jnp.float32)
        + b3_ref[...])
    m2 = jnp.dot(a, w4, preferred_element_type=jnp.float32) + b4
    mx = jnp.max(m2.reshape(blk, _K, 64), axis=1)

    a_self = jax.nn.relu(
        jnp.dot(h_ref[...], w3h_ref[...], preferred_element_type=jnp.float32)
        + b3_ref[...])
    m_self = jnp.dot(a_self, w4, preferred_element_type=jnp.float32) + b4
    h2 = jax.nn.relu(jnp.maximum(mx, m_self))

    ohT = (batchT_ref[...]
           == lax.broadcasted_iota(jnp.int32, (8, 1), 0)).astype(jnp.float32)
    part_s = jnp.dot(ohT, h2, preferred_element_type=jnp.float32)
    part_c = jnp.sum(ohT, axis=1, keepdims=True)

    @pl.when(i == 0)
    def _init():
        s_ref[...] = jnp.zeros_like(s_ref)
        c_ref[...] = jnp.zeros_like(c_ref)
        out_ref[...] = jnp.zeros_like(out_ref)

    s_ref[...] += part_s
    c_ref[...] += part_c

    @pl.when(i == nsteps - 1)
    def _final():
        pooled = s_ref[...] / jnp.maximum(c_ref[...], 1.0)
        out_ref[...] = jnp.dot(pooled, wc_ref[...],
                               preferred_element_type=jnp.float32) + bc_ref[...]


def _run_conv2(hg, feats, h, batch_i32, w3h, w3f, b3, w4, b4, wc, bc, blk):
    n = h.shape[0]
    classes = wc.shape[1]
    grid = n // blk
    _, _, out = pl.pallas_call(
        _conv2_kernel,
        grid=(grid,),
        in_specs=[
            pl.BlockSpec((blk * _K, 64), lambda i: (i, 0)),
            pl.BlockSpec((blk * _K, 4), lambda i: (i, 0)),
            pl.BlockSpec((blk, 64), lambda i: (i, 0)),
            pl.BlockSpec((1, blk), lambda i: (0, i)),
            pl.BlockSpec((64, 64), lambda i: (0, 0)),
            pl.BlockSpec((4, 64), lambda i: (0, 0)),
            pl.BlockSpec((1, 64), lambda i: (0, 0)),
            pl.BlockSpec((64, 64), lambda i: (0, 0)),
            pl.BlockSpec((1, 64), lambda i: (0, 0)),
            pl.BlockSpec((64, classes), lambda i: (0, 0)),
            pl.BlockSpec((1, classes), lambda i: (0, 0)),
        ],
        out_specs=[
            pl.BlockSpec((8, 64), lambda i: (0, 0)),
            pl.BlockSpec((8, 1), lambda i: (0, 0)),
            pl.BlockSpec((8, classes), lambda i: (0, 0)),
        ],
        out_shape=[
            jax.ShapeDtypeStruct((8, 64), jnp.float32),
            jax.ShapeDtypeStruct((8, 1), jnp.float32),
            jax.ShapeDtypeStruct((8, classes), jnp.float32),
        ],
        compiler_params=pltpu.CompilerParams(
            dimension_semantics=("arbitrary",)),
    )(hg, feats, h, batch_i32.reshape(1, n), w3h, w3f, b3, w4, b4, wc, bc)
    return out


def kernel(pos, batch, normal, W1, b1, W2, b2, W3, b3, W4, b4, Wc, bc):
    n = pos.shape[0]
    batch_i32 = batch.astype(jnp.int32)

    idx = _run_knn(pos, batch_i32, blk=512)

    pn = jnp.concatenate(
        [pos, normal, jnp.zeros((n, 10), jnp.float32)], axis=1)
    src = idx.reshape(-1)
    pnj = _sc_gather(pn, src)

    feats, h = _run_conv1(pnj, pn, W1, b1.reshape(1, -1),
                          W2, b2.reshape(1, -1), blk=256)

    hg = _sc_gather(h, src)

    out = _run_conv2(
        hg, feats, h, batch_i32,
        W3[:64, :], W3[64:, :], b3.reshape(1, -1),
        W4, b4.reshape(1, -1), Wc, bc.reshape(1, -1),
        blk=256)
    return out

# --- scband reference (transcript-rebuilt; emitter-appended) ---
"""Pipeline reference for scband-ppfnet-52613349376550 (READ-ONLY COPY).

The authoritative reference and input builder live on the scoring server;
editing this copy changes nothing except your own understanding.
"""

import jax, jax.numpy as jnp
import numpy as np

N = 8192
K = 16
H = 64
B = 8
CLASSES = 40


def _lin(key, fi, fo):
    return (jax.random.normal(key, (fi, fo), dtype=jnp.float32) / np.sqrt(fi)).astype(jnp.float32)


def setup_inputs(seed: int = 0):
    key = jax.random.key(seed)
    ks = jax.random.split(key, 16)
    pos = jax.random.normal(ks[0], (N, 3), dtype=jnp.float32)
    batch = jnp.sort(jax.random.randint(ks[1], (N,), 0, B)).astype(jnp.int64)
    normal = jax.random.normal(ks[2], (N, 3), dtype=jnp.float32)
    normal = normal / jnp.linalg.norm(normal, axis=1, keepdims=True)
    return {
        "pos": pos, "batch": batch, "normal": normal,
        "W1": _lin(ks[3], 4, H), "b1": jnp.zeros((H,), jnp.float32),
        "W2": _lin(ks[4], H, H), "b2": jnp.zeros((H,), jnp.float32),
        "W3": _lin(ks[5], H + 4, H), "b3": jnp.zeros((H,), jnp.float32),
        "W4": _lin(ks[6], H, H), "b4": jnp.zeros((H,), jnp.float32),
        "Wc": _lin(ks[7], H, CLASSES), "bc": jnp.zeros((CLASSES,), jnp.float32),
    }


def _knn_edges(pos, batch, k):
    # knn_graph(pos, k, batch, loop=False); indices are non-differentiable
    p = jax.lax.stop_gradient(pos)
    sq = jnp.sum(p * p, axis=1)
    d = sq[:, None] + sq[None, :] - 2.0 * (p @ p.T)
    d = jnp.where(batch[:, None] != batch[None, :], jnp.inf, d)
    n = p.shape[0]
    ar = jnp.arange(n)
    d = d.at[ar, ar].set(jnp.inf)
    _, idx = jax.lax.top_k(-d, k)
    src = idx.reshape(-1)          # neighbor j (source)
    dst = jnp.repeat(ar, k)        # center  i (target)
    # PPFConv adds self loops by default
    src = jnp.concatenate([src, ar])
    dst = jnp.concatenate([dst, ar])
    return src, dst


def _safe_norm(v):
    sq = jnp.sum(v * v, axis=-1)
    z = sq < 1e-20
    return jnp.where(z, 0.0, jnp.sqrt(jnp.where(z, 1.0, sq)))


def _get_angle(v1, v2):
    cn = _safe_norm(jnp.cross(v1, v2))
    dot = jnp.sum(v1 * v2, axis=-1)
    deg = (cn == 0.0) & (jnp.abs(dot) < 1e-12)
    return jnp.arctan2(cn, jnp.where(deg, 1.0, dot))


def _ppf(pos_i, pos_j, n_i, n_j):
    pseudo = pos_j - pos_i
    return jnp.stack([
        _safe_norm(pseudo),
        _get_angle(n_i, pseudo),
        _get_angle(n_j, pseudo),
        _get_angle(n_i, n_j),
    ], axis=1)


def _forward(pos, batch, normal, W1, b1, W2, b2, W3, b3, W4, b4, Wc, bc):
    n = pos.shape[0]
    src, dst = _knn_edges(pos, batch, K)
    feats = _ppf(pos[dst], pos[src], normal[dst], normal[src])
    # conv1: x is None -> message is ppf only; local_nn MLP; aggr = max
    m1 = jax.nn.relu(feats @ W1 + b1) @ W2 + b2
    h = jax.nn.relu(jax.ops.segment_max(m1, dst, num_segments=n))
    # conv2: concat(x_j, ppf)
    m2 = jnp.concatenate([h[src], feats], axis=1)
    m2 = jax.nn.relu(m2 @ W3 + b3) @ W4 + b4
    h2 = jax.nn.relu(jax.ops.segment_max(m2, dst, num_segments=n))
    # global mean pool over batch
    sums = jax.ops.segment_sum(h2, batch, num_segments=B)
    cnt = jax.ops.segment_sum(jnp.ones((n, 1), jnp.float32), batch, num_segments=B)
    pooled = sums / jnp.maximum(cnt, 1.0)
    return pooled @ Wc + bc


def reference(pos, batch, normal, W1, b1, W2, b2, W3, b3, W4, b4, Wc, bc):
    return _forward(pos, batch, normal, W1, b1, W2, b2, W3, b3, W4, b4, Wc, bc)

if __name__ == "__main__":
    import jax
    _d = setup_inputs()
    print(jax.jit(kernel)(*tuple(_d.values())))

</pallas_src>

<mosaic_0001>
#map = affine_map<(d0, d1) -> (0, 0)>
#map1 = affine_map<(d0, d1) -> (0)>
module attributes {stable_mosaic.version = 14 : i64} {
  func.func @gather_kernel(%arg0: i32, %arg1: i32, %arg2: memref<8192x64xf32, #tpu.memory_space<hbm>>, %arg3: memref<131072xi32, #tpu.memory_space<hbm>>, %arg4: memref<131072x64xf32, #tpu.memory_space<hbm>>, %arg5: memref<4096xi32, #tpu.memory_space<vmem>>, %arg6: memref<128x64xf32, #tpu.memory_space<vmem>>, %arg7: memref<128x64xf32, #tpu.memory_space<vmem>>, %arg8: memref<!tpu.dma_semaphore, #tpu.memory_space<semaphore_mem>>, %arg9: memref<!tpu.dma_semaphore, #tpu.memory_space<semaphore_mem>>) attributes {dimension_semantics = [#tpu.dimension_semantics<core_parallel>, #tpu.dimension_semantics<subcore_parallel>], iteration_bounds = array<i64: 2, 16>, scalar_prefetch = 0 : i64, scratch_operands = 5 : i64, tpu.core_type = #tpu.core_type<sc_vector_subcore>, window_params = [{transform_indices = #map}, {transform_indices = #map1}, {transform_indices = #map}]} {
    %mul3A = arith.constant 2 : i32
    %mul3A_0 = arith.muli %arg1, %mul3A : i32
    %add3A = arith.addi %mul3A_0, %arg0 : i32
    %mul3A_1 = arith.constant 4096 : i32
    %mul3A_2 = arith.muli %add3A, %mul3A_1 : i32
    "tpu.region"() ({
      %run_scoped3A = tpu.sem_alloc : memref<!tpu.dma_semaphore, #tpu.memory_space<semaphore_mem>>
      %dma_start3A = tpu.memref_slice %arg3[%mul3A_2] : memref<131072xi32, #tpu.memory_space<hbm>> -> memref<4096xi32, #tpu.memory_space<hbm>>
      %dma_start3A_8 = tpu.memref_slice %arg3[%mul3A_2] : memref<131072xi32, #tpu.memory_space<hbm>> -> memref<4096xi32, #tpu.memory_space<hbm>>
      tpu.enqueue_dma source(%dma_start3A_8 : memref<4096xi32, #tpu.memory_space<hbm>>) target(%arg5 : memref<4096xi32, #tpu.memory_space<vmem>>) target_semaphore(%run_scoped3A : memref<!tpu.dma_semaphore, #tpu.memory_space<semaphore_mem>>)
      %dma_wait3A = tpu.memref_slice %arg3[%mul3A_2] : memref<131072xi32, #tpu.memory_space<hbm>> -> memref<4096xi32, #tpu.memory_space<hbm>>
      %dma_wait3A_9 = tpu.memref_slice %arg3[%mul3A_2] : memref<131072xi32, #tpu.memory_space<hbm>> -> memref<4096xi32, #tpu.memory_space<hbm>>
      tpu.wait_dma2 semaphore(%run_scoped3A : memref<!tpu.dma_semaphore, #tpu.memory_space<semaphore_mem>>) src(%dma_wait3A_9 : memref<4096xi32, #tpu.memory_space<hbm>>) dst(%arg5 : memref<4096xi32, #tpu.memory_space<vmem>>)
      tpu.yield
    }) : () -> ()
    %scan3A = arith.constant 0 : i32
    %scan3A_3 = arith.constant 0 : i32
    %scan3A_4 = arith.constant 16 : i32
    %scan3A_5 = arith.addi %scan3A_3, %scan3A_4 : i32
    %scan3A_6 = arith.constant 1 : i32
    scf.for %scan3A_8 = %scan3A_3 to %scan3A_5 step %scan3A_6  : i32 {
      %mul3A_9 = arith.constant 2 : i32
      %mul3A_10 = arith.muli %mul3A_9, %scan3A_8 : i32
      %mul3A_11 = arith.constant 128 : i32
      %mul3A_12 = arith.muli %mul3A_10, %mul3A_11 : i32
      %add3A_13 = arith.constant 128 : i32
      %add3A_14 = arith.addi %mul3A_12, %add3A_13 : i32
      %dma_start3A = tpu.memref_slice %arg5[%mul3A_12] : memref<4096xi32, #tpu.memory_space<vmem>> -> memref<128xi32, #tpu.memory_space<vmem>>
      %dma_start3A_15 = arith.constant 0 : i32
      %dma_start3A_16 = arith.constant 0 : i32
      %dma_start3A_17 = tpu.memref_slice %arg2[%dma_start3A_15, %dma_start3A_16] : memref<8192x64xf32, #tpu.memory_space<hbm>> -> memref<8192x64xf32, #tpu.memory_space<hbm>>
      tpu.enqueue_indirect_dma source(%dma_start3A_17 : memref<8192x64xf32, #tpu.memory_space<hbm>>) target(%arg6 : memref<128x64xf32, #tpu.memory_space<vmem>>) offsets(%dma_start3A : memref<128xi32, #tpu.memory_space<vmem>>) semaphore(%arg8 : memref<!tpu.dma_semaphore, #tpu.memory_space<semaphore_mem>>)
      %dma_start3A_18 = tpu.memref_slice %arg5[%add3A_14] : memref<4096xi32, #tpu.memory_space<vmem>> -> memref<128xi32, #tpu.memory_space<vmem>>
      %dma_start3A_19 = arith.constant 0 : i32
      %dma_start3A_20 = arith.constant 0 : i32
      %dma_start3A_21 = tpu.memref_slice %arg2[%dma_start3A_19, %dma_start3A_20] : memref<8192x64xf32, #tpu.memory_space<hbm>> -> memref<8192x64xf32, #tpu.memory_space<hbm>>
      tpu.enqueue_indirect_dma source(%dma_start3A_21 : memref<8192x64xf32, #tpu.memory_space<hbm>>) target(%arg7 : memref<128x64xf32, #tpu.memory_space<vmem>>) offsets(%dma_start3A_18 : memref<128xi32, #tpu.memory_space<vmem>>) semaphore(%arg9 : memref<!tpu.dma_semaphore, #tpu.memory_space<semaphore_mem>>)
      %dma_wait3A = tpu.memref_slice %arg5[%mul3A_12] : memref<4096xi32, #tpu.memory_space<vmem>> -> memref<128xi32, #tpu.memory_space<vmem>>
      %dma_wait3A_22 = arith.constant 0 : i32
      %dma_wait3A_23 = arith.constant 0 : i32
      %dma_wait3A_24 = tpu.memref_slice %arg2[%dma_wait3A_22, %dma_wait3A_23] : memref<8192x64xf32, #tpu.memory_space<hbm>> -> memref<8192x64xf32, #tpu.memory_space<hbm>>
      tpu.wait_indirect_dma semaphore(%arg8 : memref<!tpu.dma_semaphore, #tpu.memory_space<semaphore_mem>>) src(%dma_wait3A_24 : memref<8192x64xf32, #tpu.memory_space<hbm>>) dst(%arg6 : memref<128x64xf32, #tpu.memory_space<vmem>>)
      %add3A_25 = arith.addi %mul3A_2, %mul3A_12 : i32
      "tpu.region"() ({
        %run_scoped3A = tpu.sem_alloc : memref<!tpu.dma_semaphore, #tpu.memory_space<semaphore_mem>>
        %dma_start3A_31 = arith.constant 0 : i32
        %dma_start3A_32 = tpu.memref_slice %arg4[%add3A_25, %dma_start3A_31] : memref<131072x64xf32, #tpu.memory_space<hbm>> -> memref<128x64xf32, #tpu.memory_space<hbm>>
        %dma_start3A_33 = arith.constant 0 : i32
        %dma_start3A_34 = tpu.memref_slice %arg4[%add3A_25, %dma_start3A_33] : memref<131072x64xf32, #tpu.memory_space<hbm>> -> memref<128x64xf32, #tpu.memory_space<hbm>>
        tpu.enqueue_dma source(%arg6 : memref<128x64xf32, #tpu.memory_space<vmem>>) target(%dma_start3A_34 : memref<128x64xf32, #tpu.memory_space<hbm>>) target_semaphore(%run_scoped3A : memref<!tpu.dma_semaphore, #tpu.memory_space<semaphore_mem>>)
        %dma_wait3A_35 = arith.constant 0 : i32
        %dma_wait3A_36 = tpu.memref_slice %arg4[%add3A_25, %dma_wait3A_35] : memref<131072x64xf32, #tpu.memory_space<hbm>> -> memref<128x64xf32, #tpu.memory_space<hbm>>
        %dma_wait3A_37 = arith.constant 0 : i32
        %dma_wait3A_38 = tpu.memref_slice %arg4[%add3A_25, %dma_wait3A_37] : memref<131072x64xf32, #tpu.memory_space<hbm>> -> memref<128x64xf32, #tpu.memory_space<hbm>>
        tpu.wait_dma2 semaphore(%run_scoped3A : memref<!tpu.dma_semaphore, #tpu.memory_space<semaphore_mem>>) src(%arg6 : memref<128x64xf32, #tpu.memory_space<vmem>>) dst(%dma_wait3A_38 : memref<128x64xf32, #tpu.memory_space<hbm>>)
        tpu.yield
      }) : () -> ()
      %dma_wait3A_26 = tpu.memref_slice %arg5[%add3A_14] : memref<4096xi32, #tpu.memory_space<vmem>> -> memref<128xi32, #tpu.memory_space<vmem>>
      %dma_wait3A_27 = arith.constant 0 : i32
      %dma_wait3A_28 = arith.constant 0 : i32
      %dma_wait3A_29 = tpu.memref_slice %arg2[%dma_wait3A_27, %dma_wait3A_28] : memref<8192x64xf32, #tpu.memory_space<hbm>> -> memref<8192x64xf32, #tpu.memory_space<hbm>>
      tpu.wait_indirect_dma semaphore(%arg9 : memref<!tpu.dma_semaphore, #tpu.memory_space<semaphore_mem>>) src(%dma_wait3A_29 : memref<8192x64xf32, #tpu.memory_space<hbm>>) dst(%arg7 : memref<128x64xf32, #tpu.memory_space<vmem>>)
      %add3A_30 = arith.addi %mul3A_2, %add3A_14 : i32
      "tpu.region"() ({
        %run_scoped3A = tpu.sem_alloc : memref<!tpu.dma_semaphore, #tpu.memory_space<semaphore_mem>>
        %dma_start3A_31 = arith.constant 0 : i32
        %dma_start3A_32 = tpu.memref_slice %arg4[%add3A_30, %dma_start3A_31] : memref<131072x64xf32, #tpu.memory_space<hbm>> -> memref<128x64xf32, #tpu.memory_space<hbm>>
        %dma_start3A_33 = arith.constant 0 : i32
        %dma_start3A_34 = tpu.memref_slice %arg4[%add3A_30, %dma_start3A_33] : memref<131072x64xf32, #tpu.memory_space<hbm>> -> memref<128x64xf32, #tpu.memory_space<hbm>>
        tpu.enqueue_dma source(%arg7 : memref<128x64xf32, #tpu.memory_space<vmem>>) target(%dma_start3A_34 : memref<128x64xf32, #tpu.memory_space<hbm>>) target_semaphore(%run_scoped3A : memref<!tpu.dma_semaphore, #tpu.memory_space<semaphore_mem>>)
        %dma_wait3A_35 = arith.constant 0 : i32
        %dma_wait3A_36 = tpu.memref_slice %arg4[%add3A_30, %dma_wait3A_35] : memref<131072x64xf32, #tpu.memory_space<hbm>> -> memref<128x64xf32, #tpu.memory_space<hbm>>
        %dma_wait3A_37 = arith.constant 0 : i32
        %dma_wait3A_38 = tpu.memref_slice %arg4[%add3A_30, %dma_wait3A_37] : memref<131072x64xf32, #tpu.memory_space<hbm>> -> memref<128x64xf32, #tpu.memory_space<hbm>>
        tpu.wait_dma2 semaphore(%run_scoped3A : memref<!tpu.dma_semaphore, #tpu.memory_space<semaphore_mem>>) src(%arg7 : memref<128x64xf32, #tpu.memory_space<vmem>>) dst(%dma_wait3A_38 : memref<128x64xf32, #tpu.memory_space<hbm>>)
        tpu.yield
      }) : () -> ()
    }
    %scan3A_7 = arith.constant 16 : i32
    return
  }
}

#map = affine_map<(d0, d1) -> (0, 0)>
#map1 = affine_map<(d0, d1) -> (0)>
module attributes {stable_mosaic.version = 14 : i64} {
  func.func @gather_kernel(%arg0: i32, %arg1: i32, %arg2: memref<8192x16xf32, #tpu.memory_space<hbm>>, %arg3: memref<131072xi32, #tpu.memory_space<hbm>>, %arg4: memref<131072x16xf32, #tpu.memory_space<hbm>>, %arg5: memref<4096xi32, #tpu.memory_space<vmem>>, %arg6: memref<128x16xf32, #tpu.memory_space<vmem>>, %arg7: memref<128x16xf32, #tpu.memory_space<vmem>>, %arg8: memref<!tpu.dma_semaphore, #tpu.memory_space<semaphore_mem>>, %arg9: memref<!tpu.dma_semaphore, #tpu.memory_space<semaphore_mem>>) attributes {dimension_semantics = [#tpu.dimension_semantics<core_parallel>, #tpu.dimension_semantics<subcore_parallel>], iteration_bounds = array<i64: 2, 16>, scalar_prefetch = 0 : i64, scratch_operands = 5 : i64, tpu.core_type = #tpu.core_type<sc_vector_subcore>, window_params = [{transform_indices = #map}, {transform_indices = #map1}, {transform_indices = #map}]} {
    %mul3A = arith.constant 2 : i32
    %mul3A_0 = arith.muli %arg1, %mul3A : i32
    %add3A = arith.addi %mul3A_0, %arg0 : i32
    %mul3A_1 = arith.constant 4096 : i32
    %mul3A_2 = arith.muli %add3A, %mul3A_1 : i32
    "tpu.region"() ({
      %run_scoped3A = tpu.sem_alloc : memref<!tpu.dma_semaphore, #tpu.memory_space<semaphore_mem>>
      %dma_start3A = tpu.memref_slice %arg3[%mul3A_2] : memref<131072xi32, #tpu.memory_space<hbm>> -> memref<4096xi32, #tpu.memory_space<hbm>>
      %dma_start3A_8 = tpu.memref_slice %arg3[%mul3A_2] : memref<131072xi32, #tpu.memory_space<hbm>> -> memref<4096xi32, #tpu.memory_space<hbm>>
      tpu.enqueue_dma source(%dma_start3A_8 : memref<4096xi32, #tpu.memory_space<hbm>>) target(%arg5 : memref<4096xi32, #tpu.memory_space<vmem>>) target_semaphore(%run_scoped3A : memref<!tpu.dma_semaphore, #tpu.memory_space<semaphore_mem>>)
      %dma_wait3A = tpu.memref_slice %arg3[%mul3A_2] : memref<131072xi32, #tpu.memory_space<hbm>> -> memref<4096xi32, #tpu.memory_space<hbm>>
      %dma_wait3A_9 = tpu.memref_slice %arg3[%mul3A_2] : memref<131072xi32, #tpu.memory_space<hbm>> -> memref<4096xi32, #tpu.memory_space<hbm>>
      tpu.wait_dma2 semaphore(%run_scoped3A : memref<!tpu.dma_semaphore, #tpu.memory_space<semaphore_mem>>) src(%dma_wait3A_9 : memref<4096xi32, #tpu.memory_space<hbm>>) dst(%arg5 : memref<4096xi32, #tpu.memory_space<vmem>>)
      tpu.yield
    }) : () -> ()
    %scan3A = arith.constant 0 : i32
    %scan3A_3 = arith.constant 0 : i32
    %scan3A_4 = arith.constant 16 : i32
    %scan3A_5 = arith.addi %scan3A_3, %scan3A_4 : i32
    %scan3A_6 = arith.constant 1 : i32
    scf.for %scan3A_8 = %scan3A_3 to %scan3A_5 step %scan3A_6  : i32 {
      %mul3A_9 = arith.constant 2 : i32
      %mul3A_10 = arith.muli %mul3A_9, %scan3A_8 : i32
      %mul3A_11 = arith.constant 128 : i32
      %mul3A_12 = arith.muli %mul3A_10, %mul3A_11 : i32
      %add3A_13 = arith.constant 128 : i32
      %add3A_14 = arith.addi %mul3A_12, %add3A_13 : i32
      %dma_start3A = tpu.memref_slice %arg5[%mul3A_12] : memref<4096xi32, #tpu.memory_space<vmem>> -> memref<128xi32, #tpu.memory_space<vmem>>
      %dma_start3A_15 = arith.constant 0 : i32
      %dma_start3A_16 = arith.constant 0 : i32
      %dma_start3A_17 = tpu.memref_slice %arg2[%dma_start3A_15, %dma_start3A_16] : memref<8192x16xf32, #tpu.memory_space<hbm>> -> memref<8192x16xf32, #tpu.memory_space<hbm>>
      tpu.enqueue_indirect_dma source(%dma_start3A_17 : memref<8192x16xf32, #tpu.memory_space<hbm>>) target(%arg6 : memref<128x16xf32, #tpu.memory_space<vmem>>) offsets(%dma_start3A : memref<128xi32, #tpu.memory_space<vmem>>) semaphore(%arg8 : memref<!tpu.dma_semaphore, #tpu.memory_space<semaphore_mem>>)
      %dma_start3A_18 = tpu.memref_slice %arg5[%add3A_14] : memref<4096xi32, #tpu.memory_space<vmem>> -> memref<128xi32, #tpu.memory_space<vmem>>
      %dma_start3A_19 = arith.constant 0 : i32
      %dma_start3A_20 = arith.constant 0 : i32
      %dma_start3A_21 = tpu.memref_slice %arg2[%dma_start3A_19, %dma_start3A_20] : memref<8192x16xf32, #tpu.memory_space<hbm>> -> memref<8192x16xf32, #tpu.memory_space<hbm>>
      tpu.enqueue_indirect_dma source(%dma_start3A_21 : memref<8192x16xf32, #tpu.memory_space<hbm>>) target(%arg7 : memref<128x16xf32, #tpu.memory_space<vmem>>) offsets(%dma_start3A_18 : memref<128xi32, #tpu.memory_space<vmem>>) semaphore(%arg9 : memref<!tpu.dma_semaphore, #tpu.memory_space<semaphore_mem>>)
      %dma_wait3A = tpu.memref_slice %arg5[%mul3A_12] : memref<4096xi32, #tpu.memory_space<vmem>> -> memref<128xi32, #tpu.memory_space<vmem>>
      %dma_wait3A_22 = arith.constant 0 : i32
      %dma_wait3A_23 = arith.constant 0 : i32
      %dma_wait3A_24 = tpu.memref_slice %arg2[%dma_wait3A_22, %dma_wait3A_23] : memref<8192x16xf32, #tpu.memory_space<hbm>> -> memref<8192x16xf32, #tpu.memory_space<hbm>>
      tpu.wait_indirect_dma semaphore(%arg8 : memref<!tpu.dma_semaphore, #tpu.memory_space<semaphore_mem>>) src(%dma_wait3A_24 : memref<8192x16xf32, #tpu.memory_space<hbm>>) dst(%arg6 : memref<128x16xf32, #tpu.memory_space<vmem>>)
      %add3A_25 = arith.addi %mul3A_2, %mul3A_12 : i32
      "tpu.region"() ({
        %run_scoped3A = tpu.sem_alloc : memref<!tpu.dma_semaphore, #tpu.memory_space<semaphore_mem>>
        %dma_start3A_31 = arith.constant 0 : i32
        %dma_start3A_32 = tpu.memref_slice %arg4[%add3A_25, %dma_start3A_31] : memref<131072x16xf32, #tpu.memory_space<hbm>> -> memref<128x16xf32, #tpu.memory_space<hbm>>
        %dma_start3A_33 = arith.constant 0 : i32
        %dma_start3A_34 = tpu.memref_slice %arg4[%add3A_25, %dma_start3A_33] : memref<131072x16xf32, #tpu.memory_space<hbm>> -> memref<128x16xf32, #tpu.memory_space<hbm>>
        tpu.enqueue_dma source(%arg6 : memref<128x16xf32, #tpu.memory_space<vmem>>) target(%dma_start3A_34 : memref<128x16xf32, #tpu.memory_space<hbm>>) target_semaphore(%run_scoped3A : memref<!tpu.dma_semaphore, #tpu.memory_space<semaphore_mem>>)
        %dma_wait3A_35 = arith.constant 0 : i32
        %dma_wait3A_36 = tpu.memref_slice %arg4[%add3A_25, %dma_wait3A_35] : memref<131072x16xf32, #tpu.memory_space<hbm>> -> memref<128x16xf32, #tpu.memory_space<hbm>>
        %dma_wait3A_37 = arith.constant 0 : i32
        %dma_wait3A_38 = tpu.memref_slice %arg4[%add3A_25, %dma_wait3A_37] : memref<131072x16xf32, #tpu.memory_space<hbm>> -> memref<128x16xf32, #tpu.memory_space<hbm>>
        tpu.wait_dma2 semaphore(%run_scoped3A : memref<!tpu.dma_semaphore, #tpu.memory_space<semaphore_mem>>) src(%arg6 : memref<128x16xf32, #tpu.memory_space<vmem>>) dst(%dma_wait3A_38 : memref<128x16xf32, #tpu.memory_space<hbm>>)
        tpu.yield
      }) : () -> ()
      %dma_wait3A_26 = tpu.memref_slice %arg5[%add3A_14] : memref<4096xi32, #tpu.memory_space<vmem>> -> memref<128xi32, #tpu.memory_space<vmem>>
      %dma_wait3A_27 = arith.constant 0 : i32
      %dma_wait3A_28 = arith.constant 0 : i32
      %dma_wait3A_29 = tpu.memref_slice %arg2[%dma_wait3A_27, %dma_wait3A_28] : memref<8192x16xf32, #tpu.memory_space<hbm>> -> memref<8192x16xf32, #tpu.memory_space<hbm>>
      tpu.wait_indirect_dma semaphore(%arg9 : memref<!tpu.dma_semaphore, #tpu.memory_space<semaphore_mem>>) src(%dma_wait3A_29 : memref<8192x16xf32, #tpu.memory_space<hbm>>) dst(%arg7 : memref<128x16xf32, #tpu.memory_space<vmem>>)
      %add3A_30 = arith.addi %mul3A_2, %add3A_14 : i32
      "tpu.region"() ({
        %run_scoped3A = tpu.sem_alloc : memref<!tpu.dma_semaphore, #tpu.memory_space<semaphore_mem>>
        %dma_start3A_31 = arith.constant 0 : i32
        %dma_start3A_32 = tpu.memref_slice %arg4[%add3A_30, %dma_start3A_31] : memref<131072x16xf32, #tpu.memory_space<hbm>> -> memref<128x16xf32, #tpu.memory_space<hbm>>
        %dma_start3A_33 = arith.constant 0 : i32
        %dma_start3A_34 = tpu.memref_slice %arg4[%add3A_30, %dma_start3A_33] : memref<131072x16xf32, #tpu.memory_space<hbm>> -> memref<128x16xf32, #tpu.memory_space<hbm>>
        tpu.enqueue_dma source(%arg7 : memref<128x16xf32, #tpu.memory_space<vmem>>) target(%dma_start3A_34 : memref<128x16xf32, #tpu.memory_space<hbm>>) target_semaphore(%run_scoped3A : memref<!tpu.dma_semaphore, #tpu.memory_space<semaphore_mem>>)
        %dma_wait3A_35 = arith.constant 0 : i32
        %dma_wait3A_36 = tpu.memref_slice %arg4[%add3A_30, %dma_wait3A_35] : memref<131072x16xf32, #tpu.memory_space<hbm>> -> memref<128x16xf32, #tpu.memory_space<hbm>>
        %dma_wait3A_37 = arith.constant 0 : i32
        %dma_wait3A_38 = tpu.memref_slice %arg4[%add3A_30, %dma_wait3A_37] : memref<131072x16xf32, #tpu.memory_space<hbm>> -> memref<128x16xf32, #tpu.memory_space<hbm>>
        tpu.wait_dma2 semaphore(%run_scoped3A : memref<!tpu.dma_semaphore, #tpu.memory_space<semaphore_mem>>) src(%arg7 : memref<128x16xf32, #tpu.memory_space<vmem>>) dst(%dma_wait3A_38 : memref<128x16xf32, #tpu.memory_space<hbm>>)
        tpu.yield
      }) : () -> ()
    }
    %scan3A_7 = arith.constant 16 : i32
    return
  }
}

module attributes {stable_mosaic.version = 14 : i64} {
  func.func @_knn_kernel(%arg0: i32, %arg1: memref<512x3xf32, #tpu.memory_space<vmem>>, %arg2: memref<3x8192xf32, #tpu.memory_space<vmem>>, %arg3: memref<512x1xi32, #tpu.memory_space<vmem>>, %arg4: memref<1x8192xi32, #tpu.memory_space<vmem>>, %arg5: memref<512x16xi32, #tpu.memory_space<vmem>>) attributes {dimension_semantics = [#tpu.dimension_semantics<arbitrary>], iteration_bounds = array<i64: 16>, scalar_prefetch = 0 : i64, scratch_operands = 0 : i64, tpu.core_type = #tpu.core_type<tc>, window_params = [{transform_indices = @transform_0, window_bounds = array<i64: 512, 3>}, {pipeline_mode = #tpu.pipeline_mode<synchronous>, transform_indices = @transform_1, window_bounds = array<i64: 3, 8192>}, {transform_indices = @transform_2, window_bounds = array<i64: 512, 1>}, {pipeline_mode = #tpu.pipeline_mode<synchronous>, transform_indices = @transform_3, window_bounds = array<i64: 1, 8192>}, {transform_indices = @transform_4, window_bounds = array<i64: 512, 16>}]} {
    %get3A = arith.constant 0 : index
    %get3A_0 = arith.constant 0 : index
    %get3A_1 = vector.load %arg1[%get3A, %get3A_0] : memref<512x3xf32, #tpu.memory_space<vmem>>, vector<512x3xf32>
    %slice3A = vector.extract_strided_slice %get3A_1 {offsets = [0, 0], sizes = [512, 1], strides = [1, 1]} : vector<512x3xf32> to vector<512x1xf32>
    %slice3A_2 = vector.extract_strided_slice %get3A_1 {offsets = [0, 1], sizes = [512, 1], strides = [1, 1]} : vector<512x3xf32> to vector<512x1xf32>
    %slice3A_3 = vector.extract_strided_slice %get3A_1 {offsets = [0, 2], sizes = [512, 1], strides = [1, 1]} : vector<512x3xf32> to vector<512x1xf32>
    %mul3A = arith.mulf %slice3A, %slice3A : vector<512x1xf32>
    %mul3A_4 = arith.mulf %slice3A_2, %slice3A_2 : vector<512x1xf32>
    %add3A = arith.addf %mul3A, %mul3A_4 : vector<512x1xf32>
    %mul3A_5 = arith.mulf %slice3A_3, %slice3A_3 : vector<512x1xf32>
    %add3A_6 = arith.addf %add3A, %mul3A_5 : vector<512x1xf32>
    %get3A_7 = arith.constant 0 : index
    %get3A_8 = arith.constant 0 : index
    %get3A_9 = vector.load %arg3[%get3A_7, %get3A_8] : memref<512x1xi32, #tpu.memory_space<vmem>>, vector<512x1xi32>
    %mul3A_10 = arith.constant 512 : i32
    %mul3A_11 = arith.muli %arg0, %mul3A_10 : i32
    %iota3A = tpu.iota {dimensions = array<i32: 0>} : vector<512x1xi32>
    %add3A_12 = vector.broadcast %mul3A_11 : i32 to vector<512x1xi32>
    %add3A_13 = arith.addi %add3A_12, %iota3A : vector<512x1xi32>
    %get3A_14 = arith.constant 0 : index
    %get3A_15 = arith.constant 0 : index
    %get3A_16 = vector.load %arg4[%get3A_14, %get3A_15] : memref<1x8192xi32, #tpu.memory_space<vmem>>, vector<1x8192xi32>
    %iota3A_17 = tpu.iota {dimensions = array<i32: 1>} : vector<1x8192xi32>
    %reduce_min3A = vector.shape_cast %get3A_9 : vector<512x1xi32> to vector<1x512x1xi32>
    %reduce_min3A_18 = arith.constant dense<2147483647> : vector<1xi32>
    %reduce_min3A_19 = vector.multi_reduction <minsi>, %reduce_min3A, %reduce_min3A_18 [1, 2] : vector<1x512x1xi32> to vector<1xi32>
    %reduce_min3A_20 = vector.shape_cast %reduce_min3A_19 : vector<1xi32> to vector<1x1x1xi32>
    %reduce_min3A_21 = vector.extract %reduce_min3A_20[0, 0, 0] : i32 from vector<1x1x1xi32>
    %reduce_max3A = vector.shape_cast %get3A_9 : vector<512x1xi32> to vector<1x512x1xi32>
    %reduce_max3A_22 = arith.constant dense<-2147483648> : vector<1xi32>
    %reduce_max3A_23 = vector.multi_reduction <maxsi>, %reduce_max3A, %reduce_max3A_22 [1, 2] : vector<1x512x1xi32> to vector<1xi32>
    %reduce_max3A_24 = vector.shape_cast %reduce_max3A_23 : vector<1xi32> to vector<1x1x1xi32>
    %reduce_max3A_25 = vector.extract %reduce_max3A_24[0, 0, 0] : i32 from vector<1x1x1xi32>
    %eq3A = vector.broadcast %reduce_min3A_21 : i32 to vector<1x8192xi32>
    %eq3A_26 = arith.cmpi eq, %get3A_16, %eq3A : vector<1x8192xi32>
    %jit3A = arith.constant 8192 : i32
    %broadcast_in_dim3A = vector.broadcast %jit3A : i32 to vector<1x8192xi32>
    %select_n3A = arith.select %eq3A_26, %iota3A_17, %broadcast_in_dim3A : vector<1x8192xi1>, vector<1x8192xi32>
    %reduce_min3A_27 = vector.shape_cast %select_n3A : vector<1x8192xi32> to vector<1x1x8192xi32>
    %reduce_min3A_28 = arith.constant dense<2147483647> : vector<1xi32>
    %reduce_min3A_29 = vector.multi_reduction <minsi>, %reduce_min3A_27, %reduce_min3A_28 [1, 2] : vector<1x1x8192xi32> to vector<1xi32>
    %reduce_min3A_30 = vector.shape_cast %reduce_min3A_29 : vector<1xi32> to vector<1x1x1xi32>
    %reduce_min3A_31 = vector.extract %reduce_min3A_30[0, 0, 0] : i32 from vector<1x1x1xi32>
    %eq3A_32 = vector.broadcast %reduce_max3A_25 : i32 to vector<1x8192xi32>
    %eq3A_33 = arith.cmpi eq, %get3A_16, %eq3A_32 : vector<1x8192xi32>
    %add3A_34 = arith.constant 1 : i32
    %add3A_35 = vector.broadcast %add3A_34 : i32 to vector<1x8192xi32>
    %add3A_36 = arith.addi %iota3A_17, %add3A_35 : vector<1x8192xi32>
    %jit3A_37 = arith.constant 0 : i32
    %broadcast_in_dim3A_38 = vector.broadcast %jit3A_37 : i32 to vector<1x8192xi32>
    %select_n3A_39 = arith.select %eq3A_33, %add3A_36, %broadcast_in_dim3A_38 : vector<1x8192xi1>, vector<1x8192xi32>
    %reduce_max3A_40 = vector.shape_cast %select_n3A_39 : vector<1x8192xi32> to vector<1x1x8192xi32>
    %reduce_max3A_41 = arith.constant dense<-2147483648> : vector<1xi32>
    %reduce_max3A_42 = vector.multi_reduction <maxsi>, %reduce_max3A_40, %reduce_max3A_41 [1, 2] : vector<1x1x8192xi32> to vector<1xi32>
    %reduce_max3A_43 = vector.shape_cast %reduce_max3A_42 : vector<1xi32> to vector<1x1x1xi32>
    %reduce_max3A_44 = vector.extract %reduce_max3A_43[0, 0, 0] : i32 from vector<1x1x1xi32>
    %jit3A_45 = arith.constant 512 : i32
    %div3A = arith.divsi %reduce_min3A_31, %jit3A_45 : i32
    %sign3A = arith.constant 0 : i32
    %sign3A_46 = arith.cmpi sgt, %reduce_min3A_31, %sign3A : i32
    %sign3A_47 = arith.extui %sign3A_46 : i1 to i32
    %sign3A_48 = arith.constant 0 : i32
    %sign3A_49 = arith.cmpi slt, %reduce_min3A_31, %sign3A_48 : i32
    %sign3A_50 = arith.extui %sign3A_49 : i1 to i32
    %sign3A_51 = arith.subi %sign3A_47, %sign3A_50 : i32
    %sign3A_52 = arith.constant 0 : i32
    %sign3A_53 = arith.cmpi sgt, %jit3A_45, %sign3A_52 : i32
    %sign3A_54 = arith.extui %sign3A_53 : i1 to i32
    %sign3A_55 = arith.constant 0 : i32
    %sign3A_56 = arith.cmpi slt, %jit3A_45, %sign3A_55 : i32
    %sign3A_57 = arith.extui %sign3A_56 : i1 to i32
    %sign3A_58 = arith.subi %sign3A_54, %sign3A_57 : i32
    %ne3A = arith.cmpi ne, %sign3A_51, %sign3A_58 : i32
    %rem3A = arith.remsi %reduce_min3A_31, %jit3A_45 : i32
    %ne3A_59 = arith.constant 0 : i32
    %ne3A_60 = arith.cmpi ne, %rem3A, %ne3A_59 : i32
    %and3A = arith.andi %ne3A, %ne3A_60 : i1
    %sub3A = arith.constant 1 : i32
    %sub3A_61 = arith.subi %div3A, %sub3A : i32
    %select_n3A_62 = arith.select %and3A, %sub3A_61, %div3A : i32
    %add3A_63 = arith.constant 512 : i32
    %add3A_64 = arith.addi %reduce_max3A_44, %add3A_63 : i32
    %sub3A_65 = arith.constant 1 : i32
    %sub3A_66 = arith.subi %add3A_64, %sub3A_65 : i32
    %jit3A_67 = arith.constant 512 : i32
    %div3A_68 = arith.divsi %sub3A_66, %jit3A_67 : i32
    %sign3A_69 = arith.constant 0 : i32
    %sign3A_70 = arith.cmpi sgt, %sub3A_66, %sign3A_69 : i32
    %sign3A_71 = arith.extui %sign3A_70 : i1 to i32
    %sign3A_72 = arith.constant 0 : i32
    %sign3A_73 = arith.cmpi slt, %sub3A_66, %sign3A_72 : i32
    %sign3A_74 = arith.extui %sign3A_73 : i1 to i32
    %sign3A_75 = arith.subi %sign3A_71, %sign3A_74 : i32
    %sign3A_76 = arith.constant 0 : i32
    %sign3A_77 = arith.cmpi sgt, %jit3A_67, %sign3A_76 : i32
    %sign3A_78 = arith.extui %sign3A_77 : i1 to i32
    %sign3A_79 = arith.constant 0 : i32
    %sign3A_80 = arith.cmpi slt, %jit3A_67, %sign3A_79 : i32
    %sign3A_81 = arith.extui %sign3A_80 : i1 to i32
    %sign3A_82 = arith.subi %sign3A_78, %sign3A_81 : i32
    %ne3A_83 = arith.cmpi ne, %sign3A_75, %sign3A_82 : i32
    %rem3A_84 = arith.remsi %sub3A_66, %jit3A_67 : i32
    %ne3A_85 = arith.constant 0 : i32
    %ne3A_86 = arith.cmpi ne, %rem3A_84, %ne3A_85 : i32
    %and3A_87 = arith.andi %ne3A_83, %ne3A_86 : i1
    %sub3A_88 = arith.constant 1 : i32
    %sub3A_89 = arith.subi %div3A_68, %sub3A_88 : i32
    %select_n3A_90 = arith.select %and3A_87, %sub3A_89, %div3A_68 : i32
    %iota3A_91 = tpu.iota {dimensions = array<i32: 1>} : vector<512x16xi32>
    %broadcast_in_dim3A_92 = arith.constant 0x7F800000 : f32
    %broadcast_in_dim3A_93 = vector.broadcast %broadcast_in_dim3A_92 : f32 to vector<512x16xf32>
    %broadcast_in_dim3A_94 = arith.constant 1073741824 : i32
    %broadcast_in_dim3A_95 = vector.broadcast %broadcast_in_dim3A_94 : i32 to vector<512x16xi32>
    %while3A = arith.subi %select_n3A_90, %select_n3A_62 : i32
    %while3A_96 = arith.addi %select_n3A_62, %while3A : i32
    %while3A_97 = arith.constant 1 : i32
    %while3A_98 = arith.divsi %while3A, %while3A_97 : i32
    %while3A_99 = arith.muli %while3A_98, %while3A_97 : i32
    %while3A_100 = arith.addi %select_n3A_62, %while3A_99 : i32
    %while3A_101 = arith.constant 1 : i32
    %while3A_102:2 = scf.for %while3A_107 = %select_n3A_62 to %while3A_100 step %while3A_101 iter_args(%while3A_108 = %broadcast_in_dim3A_93, %while3A_109 = %broadcast_in_dim3A_95) -> (vector<512x16xf32>, vector<512x16xi32>)  : i32 {
      %mul3A_110 = arith.constant 512 : i32
      %mul3A_111 = arith.muli %while3A_107, %mul3A_110 : i32
      %get3A_112 = arith.constant 0 : index
      %get3A_113 = arith.index_cast %mul3A_111 : i32 to index
      %get3A_114 = vector.load %arg2[%get3A_112, %get3A_113] : memref<3x8192xf32, #tpu.memory_space<vmem>>, vector<3x512xf32>
      %slice3A_115 = vector.extract_strided_slice %get3A_114 {offsets = [0, 0], sizes = [1, 512], strides = [1, 1]} : vector<3x512xf32> to vector<1x512xf32>
      %slice3A_116 = vector.extract_strided_slice %get3A_114 {offsets = [1, 0], sizes = [1, 512], strides = [1, 1]} : vector<3x512xf32> to vector<1x512xf32>
      %slice3A_117 = vector.extract_strided_slice %get3A_114 {offsets = [2, 0], sizes = [1, 512], strides = [1, 1]} : vector<3x512xf32> to vector<1x512xf32>
      %mul3A_118 = vector.broadcast %slice3A : vector<512x1xf32> to vector<512x512xf32>
      %mul3A_119 = vector.broadcast %slice3A_115 : vector<1x512xf32> to vector<512x512xf32>
      %mul3A_120 = arith.mulf %mul3A_118, %mul3A_119 : vector<512x512xf32>
      %mul3A_121 = vector.broadcast %slice3A_2 : vector<512x1xf32> to vector<512x512xf32>
      %mul3A_122 = vector.broadcast %slice3A_116 : vector<1x512xf32> to vector<512x512xf32>
      %mul3A_123 = arith.mulf %mul3A_121, %mul3A_122 : vector<512x512xf32>
      %add3A_124 = arith.addf %mul3A_120, %mul3A_123 : vector<512x512xf32>
      %mul3A_125 = vector.broadcast %slice3A_3 : vector<512x1xf32> to vector<512x512xf32>
      %mul3A_126 = vector.broadcast %slice3A_117 : vector<1x512xf32> to vector<512x512xf32>
      %mul3A_127 = arith.mulf %mul3A_125, %mul3A_126 : vector<512x512xf32>
      %add3A_128 = arith.addf %add3A_124, %mul3A_127 : vector<512x512xf32>
      %mul3A_129 = arith.mulf %slice3A_115, %slice3A_115 : vector<1x512xf32>
      %mul3A_130 = arith.mulf %slice3A_116, %slice3A_116 : vector<1x512xf32>
      %add3A_131 = arith.addf %mul3A_129, %mul3A_130 : vector<1x512xf32>
      %mul3A_132 = arith.mulf %slice3A_117, %slice3A_117 : vector<1x512xf32>
      %add3A_133 = arith.addf %add3A_131, %mul3A_132 : vector<1x512xf32>
      %add3A_134 = vector.broadcast %add3A_6 : vector<512x1xf32> to vector<512x512xf32>
      %add3A_135 = vector.broadcast %add3A_133 : vector<1x512xf32> to vector<512x512xf32>
      %add3A_136 = arith.addf %add3A_134, %add3A_135 : vector<512x512xf32>
      %mul3A_137 = arith.constant 2.000000e+00 : f32
      %mul3A_138 = vector.broadcast %mul3A_137 : f32 to vector<512x512xf32>
      %mul3A_139 = arith.mulf %mul3A_138, %add3A_128 : vector<512x512xf32>
      %sub3A_140 = arith.subf %add3A_136, %mul3A_139 : vector<512x512xf32>
      %iota3A_141 = tpu.iota {dimensions = array<i32: 1>} : vector<512x512xi32>
      %add3A_142 = vector.broadcast %mul3A_111 : i32 to vector<512x512xi32>
      %add3A_143 = arith.addi %add3A_142, %iota3A_141 : vector<512x512xi32>
      %get3A_144 = arith.constant 0 : index
      %get3A_145 = arith.index_cast %mul3A_111 : i32 to index
      %get3A_146 = vector.load %arg4[%get3A_144, %get3A_145] : memref<1x8192xi32, #tpu.memory_space<vmem>>, vector<1x512xi32>
      %ne3A_147 = vector.broadcast %get3A_9 : vector<512x1xi32> to vector<512x512xi32>
      %ne3A_148 = vector.broadcast %get3A_146 : vector<1x512xi32> to vector<512x512xi32>
      %ne3A_149 = arith.cmpi ne, %ne3A_147, %ne3A_148 : vector<512x512xi32>
      %eq3A_150 = vector.broadcast %add3A_13 : vector<512x1xi32> to vector<512x512xi32>
      %eq3A_151 = arith.cmpi eq, %add3A_143, %eq3A_150 : vector<512x512xi32>
      %or3A = arith.ori %ne3A_149, %eq3A_151 : vector<512x512xi1>
      %jit3A_152 = arith.constant 3.000000e+38 : f32
      %broadcast_in_dim3A_153 = vector.broadcast %jit3A_152 : f32 to vector<512x512xf32>
      %select_n3A_154 = arith.select %or3A, %broadcast_in_dim3A_153, %sub3A_140 : vector<512x512xi1>, vector<512x512xf32>
      %concatenate3A = tpu.concatenate %while3A_108, %select_n3A_154 in 1 : vector<512x16xf32>, vector<512x512xf32> -> vector<512x528xf32>
      %concatenate3A_155 = tpu.concatenate %while3A_109, %add3A_143 in 1 : vector<512x16xi32>, vector<512x512xi32> -> vector<512x528xi32>
      %reduce_min3A_156 = arith.constant dense<0x7F800000> : vector<512xf32>
      %reduce_min3A_157 = vector.multi_reduction <minimumf>, %concatenate3A, %reduce_min3A_156 [1] : vector<512x528xf32> to vector<512xf32>
      %broadcast_in_dim3A_158 = vector.shape_cast %reduce_min3A_157 : vector<512xf32> to vector<512x1xf32>
      %eq3A_159 = vector.broadcast %broadcast_in_dim3A_158 : vector<512x1xf32> to vector<512x528xf32>
      %eq3A_160 = arith.cmpf oeq, %concatenate3A, %eq3A_159 : vector<512x528xf32>
      %jit3A_161 = arith.constant 1073741824 : i32
      %broadcast_in_dim3A_162 = vector.broadcast %jit3A_161 : i32 to vector<512x528xi32>
      %select_n3A_163 = arith.select %eq3A_160, %concatenate3A_155, %broadcast_in_dim3A_162 : vector<512x528xi1>, vector<512x528xi32>
      %reduce_min3A_164 = arith.constant dense<2147483647> : vector<512xi32>
      %reduce_min3A_165 = vector.multi_reduction <minsi>, %select_n3A_163, %reduce_min3A_164 [1] : vector<512x528xi32> to vector<512xi32>
      %broadcast_in_dim3A_166 = vector.shape_cast %reduce_min3A_165 : vector<512xi32> to vector<512x1xi32>
      %eq3A_167 = arith.constant 0 : i32
      %eq3A_168 = vector.broadcast %eq3A_167 : i32 to vector<512x16xi32>
      %eq3A_169 = arith.cmpi eq, %iota3A_91, %eq3A_168 : vector<512x16xi32>
      %broadcast_in_dim3A_170 = vector.shape_cast %broadcast_in_dim3A_158 : vector<512x1xf32> to vector<512x1xf32>
      %broadcast_in_dim3A_171 = vector.broadcast %broadcast_in_dim3A_170 : vector<512x1xf32> to vector<512x16xf32>
      %select_n3A_172 = arith.select %eq3A_169, %broadcast_in_dim3A_171, %while3A_108 : vector<512x16xi1>, vector<512x16xf32>
      %eq3A_173 = arith.constant 0 : i32
      %eq3A_174 = vector.broadcast %eq3A_173 : i32 to vector<512x16xi32>
      %eq3A_175 = arith.cmpi eq, %iota3A_91, %eq3A_174 : vector<512x16xi32>
      %broadcast_in_dim3A_176 = vector.shape_cast %broadcast_in_dim3A_166 : vector<512x1xi32> to vector<512x1xi32>
      %broadcast_in_dim3A_177 = vector.broadcast %broadcast_in_dim3A_176 : vector<512x1xi32> to vector<512x16xi32>
      %select_n3A_178 = arith.select %eq3A_175, %broadcast_in_dim3A_177, %while3A_109 : vector<512x16xi1>, vector<512x16xi32>
      %eq3A_179 = vector.broadcast %broadcast_in_dim3A_158 : vector<512x1xf32> to vector<512x528xf32>
      %eq3A_180 = arith.cmpf oeq, %concatenate3A, %eq3A_179 : vector<512x528xf32>
      %eq3A_181 = vector.broadcast %broadcast_in_dim3A_166 : vector<512x1xi32> to vector<512x528xi32>
      %eq3A_182 = arith.cmpi eq, %concatenate3A_155, %eq3A_181 : vector<512x528xi32>
      %and3A_183 = arith.andi %eq3A_180, %eq3A_182 : vector<512x528xi1>
      %jit3A_184 = arith.constant 0x7F800000 : f32
      %broadcast_in_dim3A_185 = vector.broadcast %jit3A_184 : f32 to vector<512x528xf32>
      %select_n3A_186 = arith.select %and3A_183, %broadcast_in_dim3A_185, %concatenate3A : vector<512x528xi1>, vector<512x528xf32>
      %reduce_min3A_187 = arith.constant dense<0x7F800000> : vector<512xf32>
      %reduce_min3A_188 = vector.multi_reduction <minimumf>, %select_n3A_186, %reduce_min3A_187 [1] : vector<512x528xf32> to vector<512xf32>
      %broadcast_in_dim3A_189 = vector.shape_cast %reduce_min3A_188 : vector<512xf32> to vector<512x1xf32>
      %eq3A_190 = vector.broadcast %broadcast_in_dim3A_189 : vector<512x1xf32> to vector<512x528xf32>
      %eq3A_191 = arith.cmpf oeq, %select_n3A_186, %eq3A_190 : vector<512x528xf32>
      %jit3A_192 = arith.constant 1073741824 : i32
      %broadcast_in_dim3A_193 = vector.broadcast %jit3A_192 : i32 to vector<512x528xi32>
      %select_n3A_194 = arith.select %eq3A_191, %concatenate3A_155, %broadcast_in_dim3A_193 : vector<512x528xi1>, vector<512x528xi32>
      %reduce_min3A_195 = arith.constant dense<2147483647> : vector<512xi32>
      %reduce_min3A_196 = vector.multi_reduction <minsi>, %select_n3A_194, %reduce_min3A_195 [1] : vector<512x528xi32> to vector<512xi32>
      %broadcast_in_dim3A_197 = vector.shape_cast %reduce_min3A_196 : vector<512xi32> to vector<512x1xi32>
      %eq3A_198 = arith.constant 1 : i32
      %eq3A_199 = vector.broadcast %eq3A_198 : i32 to vector<512x16xi32>
      %eq3A_200 = arith.cmpi eq, %iota3A_91, %eq3A_199 : vector<512x16xi32>
      %broadcast_in_dim3A_201 = vector.shape_cast %broadcast_in_dim3A_189 : vector<512x1xf32> to vector<512x1xf32>
      %broadcast_in_dim3A_202 = vector.broadcast %broadcast_in_dim3A_201 : vector<512x1xf32> to vector<512x16xf32>
      %select_n3A_203 = arith.select %eq3A_200, %broadcast_in_dim3A_202, %select_n3A_172 : vector<512x16xi1>, vector<512x16xf32>
      %eq3A_204 = arith.constant 1 : i32
      %eq3A_205 = vector.broadcast %eq3A_204 : i32 to vector<512x16xi32>
      %eq3A_206 = arith.cmpi eq, %iota3A_91, %eq3A_205 : vector<512x16xi32>
      %broadcast_in_dim3A_207 = vector.shape_cast %broadcast_in_dim3A_197 : vector<512x1xi32> to vector<512x1xi32>
      %broadcast_in_dim3A_208 = vector.broadcast %broadcast_in_dim3A_207 : vector<512x1xi32> to vector<512x16xi32>
      %select_n3A_209 = arith.select %eq3A_206, %broadcast_in_dim3A_208, %select_n3A_178 : vector<512x16xi1>, vector<512x16xi32>
      %eq3A_210 = vector.broadcast %broadcast_in_dim3A_189 : vector<512x1xf32> to vector<512x528xf32>
      %eq3A_211 = arith.cmpf oeq, %select_n3A_186, %eq3A_210 : vector<512x528xf32>
      %eq3A_212 = vector.broadcast %broadcast_in_dim3A_197 : vector<512x1xi32> to vector<512x528xi32>
      %eq3A_213 = arith.cmpi eq, %concatenate3A_155, %eq3A_212 : vector<512x528xi32>
      %and3A_214 = arith.andi %eq3A_211, %eq3A_213 : vector<512x528xi1>
      %jit3A_215 = arith.constant 0x7F800000 : f32
      %broadcast_in_dim3A_216 = vector.broadcast %jit3A_215 : f32 to vector<512x528xf32>
      %select_n3A_217 = arith.select %and3A_214, %broadcast_in_dim3A_216, %select_n3A_186 : vector<512x528xi1>, vector<512x528xf32>
      %reduce_min3A_218 = arith.constant dense<0x7F800000> : vector<512xf32>
      %reduce_min3A_219 = vector.multi_reduction <minimumf>, %select_n3A_217, %reduce_min3A_218 [1] : vector<512x528xf32> to vector<512xf32>
      %broadcast_in_dim3A_220 = vector.shape_cast %reduce_min3A_219 : vector<512xf32> to vector<512x1xf32>
      %eq3A_221 = vector.broadcast %broadcast_in_dim3A_220 : vector<512x1xf32> to vector<512x528xf32>
      %eq3A_222 = arith.cmpf oeq, %select_n3A_217, %eq3A_221 : vector<512x528xf32>
      %jit3A_223 = arith.constant 1073741824 : i32
      %broadcast_in_dim3A_224 = vector.broadcast %jit3A_223 : i32 to vector<512x528xi32>
      %select_n3A_225 = arith.select %eq3A_222, %concatenate3A_155, %broadcast_in_dim3A_224 : vector<512x528xi1>, vector<512x528xi32>
      %reduce_min3A_226 = arith.constant dense<2147483647> : vector<512xi32>
      %reduce_min3A_227 = vector.multi_reduction <minsi>, %select_n3A_225, %reduce_min3A_226 [1] : vector<512x528xi32> to vector<512xi32>
      %broadcast_in_dim3A_228 = vector.shape_cast %reduce_min3A_227 : vector<512xi32> to vector<512x1xi32>
      %eq3A_229 = arith.constant 2 : i32
      %eq3A_230 = vector.broadcast %eq3A_229 : i32 to vector<512x16xi32>
      %eq3A_231 = arith.cmpi eq, %iota3A_91, %eq3A_230 : vector<512x16xi32>
      %broadcast_in_dim3A_232 = vector.shape_cast %broadcast_in_dim3A_220 : vector<512x1xf32> to vector<512x1xf32>
      %broadcast_in_dim3A_233 = vector.broadcast %broadcast_in_dim3A_232 : vector<512x1xf32> to vector<512x16xf32>
      %select_n3A_234 = arith.select %eq3A_231, %broadcast_in_dim3A_233, %select_n3A_203 : vector<512x16xi1>, vector<512x16xf32>
      %eq3A_235 = arith.constant 2 : i32
      %eq3A_236 = vector.broadcast %eq3A_235 : i32 to vector<512x16xi32>
      %eq3A_237 = arith.cmpi eq, %iota3A_91, %eq3A_236 : vector<512x16xi32>
      %broadcast_in_dim3A_238 = vector.shape_cast %broadcast_in_dim3A_228 : vector<512x1xi32> to vector<512x1xi32>
      %broadcast_in_dim3A_239 = vector.broadcast %broadcast_in_dim3A_238 : vector<512x1xi32> to vector<512x16xi32>
      %select_n3A_240 = arith.select %eq3A_237, %broadcast_in_dim3A_239, %select_n3A_209 : vector<512x16xi1>, vector<512x16xi32>
      %eq3A_241 = vector.broadcast %broadcast_in_dim3A_220 : vector<512x1xf32> to vector<512x528xf32>
      %eq3A_242 = arith.cmpf oeq, %select_n3A_217, %eq3A_241 : vector<512x528xf32>
      %eq3A_243 = vector.broadcast %broadcast_in_dim3A_228 : vector<512x1xi32> to vector<512x528xi32>
      %eq3A_244 = arith.cmpi eq, %concatenate3A_155, %eq3A_243 : vector<512x528xi32>
      %and3A_245 = arith.andi %eq3A_242, %eq3A_244 : vector<512x528xi1>
      %jit3A_246 = arith.constant 0x7F800000 : f32
      %broadcast_in_dim3A_247 = vector.broadcast %jit3A_246 : f32 to vector<512x528xf32>
      %select_n3A_248 = arith.select %and3A_245, %broadcast_in_dim3A_247, %select_n3A_217 : vector<512x528xi1>, vector<512x528xf32>
      %reduce_min3A_249 = arith.constant dense<0x7F800000> : vector<512xf32>
      %reduce_min3A_250 = vector.multi_reduction <minimumf>, %select_n3A_248, %reduce_min3A_249 [1] : vector<512x528xf32> to vector<512xf32>
      %broadcast_in_dim3A_251 = vector.shape_cast %reduce_min3A_250 : vector<512xf32> to vector<512x1xf32>
      %eq3A_252 = vector.broadcast %broadcast_in_dim3A_251 : vector<512x1xf32> to vector<512x528xf32>
      %eq3A_253 = arith.cmpf oeq, %select_n3A_248, %eq3A_252 : vector<512x528xf32>
      %jit3A_254 = arith.constant 1073741824 : i32
      %broadcast_in_dim3A_255 = vector.broadcast %jit3A_254 : i32 to vector<512x528xi32>
      %select_n3A_256 = arith.select %eq3A_253, %concatenate3A_155, %broadcast_in_dim3A_255 : vector<512x528xi1>, vector<512x528xi32>
      %reduce_min3A_257 = arith.constant dense<2147483647> : vector<512xi32>
      %reduce_min3A_258 = vector.multi_reduction <minsi>, %select_n3A_256, %reduce_min3A_257 [1] : vector<512x528xi32> to vector<512xi32>
      %broadcast_in_dim3A_259 = vector.shape_cast %reduce_min3A_258 : vector<512xi32> to vector<512x1xi32>
      %eq3A_260 = arith.constant 3 : i32
      %eq3A_261 = vector.broadcast %eq3A_260 : i32 to vector<512x16xi32>
      %eq3A_262 = arith.cmpi eq, %iota3A_91, %eq3A_261 : vector<512x16xi32>
      %broadcast_in_dim3A_263 = vector.shape_cast %broadcast_in_dim3A_251 : vector<512x1xf32> to vector<512x1xf32>
      %broadcast_in_dim3A_264 = vector.broadcast %broadcast_in_dim3A_263 : vector<512x1xf32> to vector<512x16xf32>
      %select_n3A_265 = arith.select %eq3A_262, %broadcast_in_dim3A_264, %select_n3A_234 : vector<512x16xi1>, vector<512x16xf32>
      %eq3A_266 = arith.constant 3 : i32
      %eq3A_267 = vector.broadcast %eq3A_266 : i32 to vector<512x16xi32>
      %eq3A_268 = arith.cmpi eq, %iota3A_91, %eq3A_267 : vector<512x16xi32>
      %broadcast_in_dim3A_269 = vector.shape_cast %broadcast_in_dim3A_259 : vector<512x1xi32> to vector<512x1xi32>
      %broadcast_in_dim3A_270 = vector.broadcast %broadcast_in_dim3A_269 : vector<512x1xi32> to vector<512x16xi32>
      %select_n3A_271 = arith.select %eq3A_268, %broadcast_in_dim3A_270, %select_n3A_240 : vector<512x16xi1>, vector<512x16xi32>
      %eq3A_272 = vector.broadcast %broadcast_in_dim3A_251 : vector<512x1xf32> to vector<512x528xf32>
      %eq3A_273 = arith.cmpf oeq, %select_n3A_248, %eq3A_272 : vector<512x528xf32>
      %eq3A_274 = vector.broadcast %broadcast_in_dim3A_259 : vector<512x1xi32> to vector<512x528xi32>
      %eq3A_275 = arith.cmpi eq, %concatenate3A_155, %eq3A_274 : vector<512x528xi32>
      %and3A_276 = arith.andi %eq3A_273, %eq3A_275 : vector<512x528xi1>
      %jit3A_277 = arith.constant 0x7F800000 : f32
      %broadcast_in_dim3A_278 = vector.broadcast %jit3A_277 : f32 to vector<512x528xf32>
      %select_n3A_279 = arith.select %and3A_276, %broadcast_in_dim3A_278, %select_n3A_248 : vector<512x528xi1>, vector<512x528xf32>
      %reduce_min3A_280 = arith.constant dense<0x7F800000> : vector<512xf32>
      %reduce_min3A_281 = vector.multi_reduction <minimumf>, %select_n3A_279, %reduce_min3A_280 [1] : vector<512x528xf32> to vector<512xf32>
      %broadcast_in_dim3A_282 = vector.shape_cast %reduce_min3A_281 : vector<512xf32> to vector<512x1xf32>
      %eq3A_283 = vector.broadcast %broadcast_in_dim3A_282 : vector<512x1xf32> to vector<512x528xf32>
      %eq3A_284 = arith.cmpf oeq, %select_n3A_279, %eq3A_283 : vector<512x528xf32>
      %jit3A_285 = arith.constant 1073741824 : i32
      %broadcast_in_dim3A_286 = vector.broadcast %jit3A_285 : i32 to vector<512x528xi32>
      %select_n3A_287 = arith.select %eq3A_284, %concatenate3A_155, %broadcast_in_dim3A_286 : vector<512x528xi1>, vector<512x528xi32>
      %reduce_min3A_288 = arith.constant dense<2147483647> : vector<512xi32>
      %reduce_min3A_289 = vector.multi_reduction <minsi>, %select_n3A_287, %reduce_min3A_288 [1] : vector<512x528xi32> to vector<512xi32>
      %broadcast_in_dim3A_290 = vector.shape_cast %reduce_min3A_289 : vector<512xi32> to vector<512x1xi32>
      %eq3A_291 = arith.constant 4 : i32
      %eq3A_292 = vector.broadcast %eq3A_291 : i32 to vector<512x16xi32>
      %eq3A_293 = arith.cmpi eq, %iota3A_91, %eq3A_292 : vector<512x16xi32>
      %broadcast_in_dim3A_294 = vector.shape_cast %broadcast_in_dim3A_282 : vector<512x1xf32> to vector<512x1xf32>
      %broadcast_in_dim3A_295 = vector.broadcast %broadcast_in_dim3A_294 : vector<512x1xf32> to vector<512x16xf32>
      %select_n3A_296 = arith.select %eq3A_293, %broadcast_in_dim3A_295, %select_n3A_265 : vector<512x16xi1>, vector<512x16xf32>
      %eq3A_297 = arith.constant 4 : i32
      %eq3A_298 = vector.broadcast %eq3A_297 : i32 to vector<512x16xi32>
      %eq3A_299 = arith.cmpi eq, %iota3A_91, %eq3A_298 : vector<512x16xi32>
      %broadcast_in_dim3A_300 = vector.shape_cast %broadcast_in_dim3A_290 : vector<512x1xi32> to vector<512x1xi32>
      %broadcast_in_dim3A_301 = vector.broadcast %broadcast_in_dim3A_300 : vector<512x1xi32> to vector<512x16xi32>
      %select_n3A_302 = arith.select %eq3A_299, %broadcast_in_dim3A_301, %select_n3A_271 : vector<512x16xi1>, vector<512x16xi32>
      %eq3A_303 = vector.broadcast %broadcast_in_dim3A_282 : vector<512x1xf32> to vector<512x528xf32>
      %eq3A_304 = arith.cmpf oeq, %select_n3A_279, %eq3A_303 : vector<512x528xf32>
      %eq3A_305 = vector.broadcast %broadcast_in_dim3A_290 : vector<512x1xi32> to vector<512x528xi32>
      %eq3A_306 = arith.cmpi eq, %concatenate3A_155, %eq3A_305 : vector<512x528xi32>
      %and3A_307 = arith.andi %eq3A_304, %eq3A_306 : vector<512x528xi1>
      %jit3A_308 = arith.constant 0x7F800000 : f32
      %broadcast_in_dim3A_309 = vector.broadcast %jit3A_308 : f32 to vector<512x528xf32>
      %select_n3A_310 = arith.select %and3A_307, %broadcast_in_dim3A_309, %select_n3A_279 : vector<512x528xi1>, vector<512x528xf32>
      %reduce_min3A_311 = arith.constant dense<0x7F800000> : vector<512xf32>
      %reduce_min3A_312 = vector.multi_reduction <minimumf>, %select_n3A_310, %reduce_min3A_311 [1] : vector<512x528xf32> to vector<512xf32>
      %broadcast_in_dim3A_313 = vector.shape_cast %reduce_min3A_312 : vector<512xf32> to vector<512x1xf32>
      %eq3A_314 = vector.broadcast %broadcast_in_dim3A_313 : vector<512x1xf32> to vector<512x528xf32>
      %eq3A_315 = arith.cmpf oeq, %select_n3A_310, %eq3A_314 : vector<512x528xf32>
      %jit3A_316 = arith.constant 1073741824 : i32
      %broadcast_in_dim3A_317 = vector.broadcast %jit3A_316 : i32 to vector<512x528xi32>
      %select_n3A_318 = arith.select %eq3A_315, %concatenate3A_155, %broadcast_in_dim3A_317 : vector<512x528xi1>, vector<512x528xi32>
      %reduce_min3A_319 = arith.constant dense<2147483647> : vector<512xi32>
      %reduce_min3A_320 = vector.multi_reduction <minsi>, %select_n3A_318, %reduce_min3A_319 [1] : vector<512x528xi32> to vector<512xi32>
      %broadcast_in_dim3A_321 = vector.shape_cast %reduce_min3A_320 : vector<512xi32> to vector<512x1xi32>
      %eq3A_322 = arith.constant 5 : i32
      %eq3A_323 = vector.broadcast %eq3A_322 : i32 to vector<512x16xi32>
      %eq3A_324 = arith.cmpi eq, %iota3A_91, %eq3A_323 : vector<512x16xi32>
      %broadcast_in_dim3A_325 = vector.shape_cast %broadcast_in_dim3A_313 : vector<512x1xf32> to vector<512x1xf32>
      %broadcast_in_dim3A_326 = vector.broadcast %broadcast_in_dim3A_325 : vector<512x1xf32> to vector<512x16xf32>
      %select_n3A_327 = arith.select %eq3A_324, %broadcast_in_dim3A_326, %select_n3A_296 : vector<512x16xi1>, vector<512x16xf32>
      %eq3A_328 = arith.constant 5 : i32
      %eq3A_329 = vector.broadcast %eq3A_328 : i32 to vector<512x16xi32>
      %eq3A_330 = arith.cmpi eq, %iota3A_91, %eq3A_329 : vector<512x16xi32>
      %broadcast_in_dim3A_331 = vector.shape_cast %broadcast_in_dim3A_321 : vector<512x1xi32> to vector<512x1xi32>
      %broadcast_in_dim3A_332 = vector.broadcast %broadcast_in_dim3A_331 : vector<512x1xi32> to vector<512x16xi32>
      %select_n3A_333 = arith.select %eq3A_330, %broadcast_in_dim3A_332, %select_n3A_302 : vector<512x16xi1>, vector<512x16xi32>
      %eq3A_334 = vector.broadcast %broadcast_in_dim3A_313 : vector<512x1xf32> to vector<512x528xf32>
      %eq3A_335 = arith.cmpf oeq, %select_n3A_310, %eq3A_334 : vector<512x528xf32>
      %eq3A_336 = vector.broadcast %broadcast_in_dim3A_321 : vector<512x1xi32> to vector<512x528xi32>
      %eq3A_337 = arith.cmpi eq, %concatenate3A_155, %eq3A_336 : vector<512x528xi32>
      %and3A_338 = arith.andi %eq3A_335, %eq3A_337 : vector<512x528xi1>
      %jit3A_339 = arith.constant 0x7F800000 : f32
      %broadcast_in_dim3A_340 = vector.broadcast %jit3A_339 : f32 to vector<512x528xf32>
      %select_n3A_341 = arith.select %and3A_338, %broadcast_in_dim3A_340, %select_n3A_310 : vector<512x528xi1>, vector<512x528xf32>
      %reduce_min3A_342 = arith.constant dense<0x7F800000> : vector<512xf32>
      %reduce_min3A_343 = vector.multi_reduction <minimumf>, %select_n3A_341, %reduce_min3A_342 [1] : vector<512x528xf32> to vector<512xf32>
      %broadcast_in_dim3A_344 = vector.shape_cast %reduce_min3A_343 : vector<512xf32> to vector<512x1xf32>
      %eq3A_345 = vector.broadcast %broadcast_in_dim3A_344 : vector<512x1xf32> to vector<512x528xf32>
      %eq3A_346 = arith.cmpf oeq, %select_n3A_341, %eq3A_345 : vector<512x528xf32>
      %jit3A_347 = arith.constant 1073741824 : i32
      %broadcast_in_dim3A_348 = vector.broadcast %jit3A_347 : i32 to vector<512x528xi32>
      %select_n3A_349 = arith.select %eq3A_346, %concatenate3A_155, %broadcast_in_dim3A_348 : vector<512x528xi1>, vector<512x528xi32>
      %reduce_min3A_350 = arith.constant dense<2147483647> : vector<512xi32>
      %reduce_min3A_351 = vector.multi_reduction <minsi>, %select_n3A_349, %reduce_min3A_350 [1] : vector<512x528xi32> to vector<512xi32>
      %broadcast_in_dim3A_352 = vector.shape_cast %reduce_min3A_351 : vector<512xi32> to vector<512x1xi32>
      %eq3A_353 = arith.constant 6 : i32
      %eq3A_354 = vector.broadcast %eq3A_353 : i32 to vector<512x16xi32>
      %eq3A_355 = arith.cmpi eq, %iota3A_91, %eq3A_354 : vector<512x16xi32>
      %broadcast_in_dim3A_356 = vector.shape_cast %broadcast_in_dim3A_344 : vector<512x1xf32> to vector<512x1xf32>
      %broadcast_in_dim3A_357 = vector.broadcast %broadcast_in_dim3A_356 : vector<512x1xf32> to vector<512x16xf32>
      %select_n3A_358 = arith.select %eq3A_355, %broadcast_in_dim3A_357, %select_n3A_327 : vector<512x16xi1>, vector<512x16xf32>
      %eq3A_359 = arith.constant 6 : i32
      %eq3A_360 = vector.broadcast %eq3A_359 : i32 to vector<512x16xi32>
      %eq3A_361 = arith.cmpi eq, %iota3A_91, %eq3A_360 : vector<512x16xi32>
      %broadcast_in_dim3A_362 = vector.shape_cast %broadcast_in_dim3A_352 : vector<512x1xi32> to vector<512x1xi32>
      %broadcast_in_dim3A_363 = vector.broadcast %broadcast_in_dim3A_362 : vector<512x1xi32> to vector<512x16xi32>
      %select_n3A_364 = arith.select %eq3A_361, %broadcast_in_dim3A_363, %select_n3A_333 : vector<512x16xi1>, vector<512x16xi32>
      %eq3A_365 = vector.broadcast %broadcast_in_dim3A_344 : vector<512x1xf32> to vector<512x528xf32>
      %eq3A_366 = arith.cmpf oeq, %select_n3A_341, %eq3A_365 : vector<512x528xf32>
      %eq3A_367 = vector.broadcast %broadcast_in_dim3A_352 : vector<512x1xi32> to vector<512x528xi32>
      %eq3A_368 = arith.cmpi eq, %concatenate3A_155, %eq3A_367 : vector<512x528xi32>
      %and3A_369 = arith.andi %eq3A_366, %eq3A_368 : vector<512x528xi1>
      %jit3A_370 = arith.constant 0x7F800000 : f32
      %broadcast_in_dim3A_371 = vector.broadcast %jit3A_370 : f32 to vector<512x528xf32>
      %select_n3A_372 = arith.select %and3A_369, %broadcast_in_dim3A_371, %select_n3A_341 : vector<512x528xi1>, vector<512x528xf32>
      %reduce_min3A_373 = arith.constant dense<0x7F800000> : vector<512xf32>
      %reduce_min3A_374 = vector.multi_reduction <minimumf>, %select_n3A_372, %reduce_min3A_373 [1] : vector<512x528xf32> to vector<512xf32>
      %broadcast_in_dim3A_375 = vector.shape_cast %reduce_min3A_374 : vector<512xf32> to vector<512x1xf32>
      %eq3A_376 = vector.broadcast %broadcast_in_dim3A_375 : vector<512x1xf32> to vector<512x528xf32>
      %eq3A_377 = arith.cmpf oeq, %select_n3A_372, %eq3A_376 : vector<512x528xf32>
      %jit3A_378 = arith.constant 1073741824 : i32
      %broadcast_in_dim3A_379 = vector.broadcast %jit3A_378 : i32 to vector<512x528xi32>
      %select_n3A_380 = arith.select %eq3A_377, %concatenate3A_155, %broadcast_in_dim3A_379 : vector<512x528xi1>, vector<512x528xi32>
      %reduce_min3A_381 = arith.constant dense<2147483647> : vector<512xi32>
      %reduce_min3A_382 = vector.multi_reduction <minsi>, %select_n3A_380, %reduce_min3A_381 [1] : vector<512x528xi32> to vector<512xi32>
      %broadcast_in_dim3A_383 = vector.shape_cast %reduce_min3A_382 : vector<512xi32> to vector<512x1xi32>
      %eq3A_384 = arith.constant 7 : i32
      %eq3A_385 = vector.broadcast %eq3A_384 : i32 to vector<512x16xi32>
      %eq3A_386 = arith.cmpi eq, %iota3A_91, %eq3A_385 : vector<512x16xi32>
      %broadcast_in_dim3A_387 = vector.shape_cast %broadcast_in_dim3A_375 : vector<512x1xf32> to vector<512x1xf32>
      %broadcast_in_dim3A_388 = vector.broadcast %broadcast_in_dim3A_387 : vector<512x1xf32> to vector<512x16xf32>
      %select_n3A_389 = arith.select %eq3A_386, %broadcast_in_dim3A_388, %select_n3A_358 : vector<512x16xi1>, vector<512x16xf32>
      %eq3A_390 = arith.constant 7 : i32
      %eq3A_391 = vector.broadcast %eq3A_390 : i32 to vector<512x16xi32>
      %eq3A_392 = arith.cmpi eq, %iota3A_91, %eq3A_391 : vector<512x16xi32>
      %broadcast_in_dim3A_393 = vector.shape_cast %broadcast_in_dim3A_383 : vector<512x1xi32> to vector<512x1xi32>
      %broadcast_in_dim3A_394 = vector.broadcast %broadcast_in_dim3A_393 : vector<512x1xi32> to vector<512x16xi32>
      %select_n3A_395 = arith.select %eq3A_392, %broadcast_in_dim3A_394, %select_n3A_364 : vector<512x16xi1>, vector<512x16xi32>
      %eq3A_396 = vector.broadcast %broadcast_in_dim3A_375 : vector<512x1xf32> to vector<512x528xf32>
      %eq3A_397 = arith.cmpf oeq, %select_n3A_372, %eq3A_396 : vector<512x528xf32>
      %eq3A_398 = vector.broadcast %broadcast_in_dim3A_383 : vector<512x1xi32> to vector<512x528xi32>
      %eq3A_399 = arith.cmpi eq, %concatenate3A_155, %eq3A_398 : vector<512x528xi32>
      %and3A_400 = arith.andi %eq3A_397, %eq3A_399 : vector<512x528xi1>
      %jit3A_401 = arith.constant 0x7F800000 : f32
      %broadcast_in_dim3A_402 = vector.broadcast %jit3A_401 : f32 to vector<512x528xf32>
      %select_n3A_403 = arith.select %and3A_400, %broadcast_in_dim3A_402, %select_n3A_372 : vector<512x528xi1>, vector<512x528xf32>
      %reduce_min3A_404 = arith.constant dense<0x7F800000> : vector<512xf32>
      %reduce_min3A_405 = vector.multi_reduction <minimumf>, %select_n3A_403, %reduce_min3A_404 [1] : vector<512x528xf32> to vector<512xf32>
      %broadcast_in_dim3A_406 = vector.shape_cast %reduce_min3A_405 : vector<512xf32> to vector<512x1xf32>
      %eq3A_407 = vector.broadcast %broadcast_in_dim3A_406 : vector<512x1xf32> to vector<512x528xf32>
      %eq3A_408 = arith.cmpf oeq, %select_n3A_403, %eq3A_407 : vector<512x528xf32>
      %jit3A_409 = arith.constant 1073741824 : i32
      %broadcast_in_dim3A_410 = vector.broadcast %jit3A_409 : i32 to vector<512x528xi32>
      %select_n3A_411 = arith.select %eq3A_408, %concatenate3A_155, %broadcast_in_dim3A_410 : vector<512x528xi1>, vector<512x528xi32>
      %reduce_min3A_412 = arith.constant dense<2147483647> : vector<512xi32>
      %reduce_min3A_413 = vector.multi_reduction <minsi>, %select_n3A_411, %reduce_min3A_412 [1] : vector<512x528xi32> to vector<512xi32>
      %broadcast_in_dim3A_414 = vector.shape_cast %reduce_min3A_413 : vector<512xi32> to vector<512x1xi32>
      %eq3A_415 = arith.constant 8 : i32
      %eq3A_416 = vector.broadcast %eq3A_415 : i32 to vector<512x16xi32>
      %eq3A_417 = arith.cmpi eq, %iota3A_91, %eq3A_416 : vector<512x16xi32>
      %broadcast_in_dim3A_418 = vector.shape_cast %broadcast_in_dim3A_406 : vector<512x1xf32> to vector<512x1xf32>
      %broadcast_in_dim3A_419 = vector.broadcast %broadcast_in_dim3A_418 : vector<512x1xf32> to vector<512x16xf32>
      %select_n3A_420 = arith.select %eq3A_417, %broadcast_in_dim3A_419, %select_n3A_389 : vector<512x16xi1>, vector<512x16xf32>
      %eq3A_421 = arith.constant 8 : i32
      %eq3A_422 = vector.broadcast %eq3A_421 : i32 to vector<512x16xi32>
      %eq3A_423 = arith.cmpi eq, %iota3A_91, %eq3A_422 : vector<512x16xi32>
      %broadcast_in_dim3A_424 = vector.shape_cast %broadcast_in_dim3A_414 : vector<512x1xi32> to vector<512x1xi32>
      %broadcast_in_dim3A_425 = vector.broadcast %broadcast_in_dim3A_424 : vector<512x1xi32> to vector<512x16xi32>
      %select_n3A_426 = arith.select %eq3A_423, %broadcast_in_dim3A_425, %select_n3A_395 : vector<512x16xi1>, vector<512x16xi32>
      %eq3A_427 = vector.broadcast %broadcast_in_dim3A_406 : vector<512x1xf32> to vector<512x528xf32>
      %eq3A_428 = arith.cmpf oeq, %select_n3A_403, %eq3A_427 : vector<512x528xf32>
      %eq3A_429 = vector.broadcast %broadcast_in_dim3A_414 : vector<512x1xi32> to vector<512x528xi32>
      %eq3A_430 = arith.cmpi eq, %concatenate3A_155, %eq3A_429 : vector<512x528xi32>
      %and3A_431 = arith.andi %eq3A_428, %eq3A_430 : vector<512x528xi1>
      %jit3A_432 = arith.constant 0x7F800000 : f32
      %broadcast_in_dim3A_433 = vector.broadcast %jit3A_432 : f32 to vector<512x528xf32>
      %select_n3A_434 = arith.select %and3A_431, %broadcast_in_dim3A_433, %select_n3A_403 : vector<512x528xi1>, vector<512x528xf32>
      %reduce_min3A_435 = arith.constant dense<0x7F800000> : vector<512xf32>
      %reduce_min3A_436 = vector.multi_reduction <minimumf>, %select_n3A_434, %reduce_min3A_435 [1] : vector<512x528xf32> to vector<512xf32>
      %broadcast_in_dim3A_437 = vector.shape_cast %reduce_min3A_436 : vector<512xf32> to vector<512x1xf32>
      %eq3A_438 = vector.broadcast %broadcast_in_dim3A_437 : vector<512x1xf32> to vector<512x528xf32>
      %eq3A_439 = arith.cmpf oeq, %select_n3A_434, %eq3A_438 : vector<512x528xf32>
      %jit3A_440 = arith.constant 1073741824 : i32
      %broadcast_in_dim3A_441 = vector.broadcast %jit3A_440 : i32 to vector<512x528xi32>
      %select_n3A_442 = arith.select %eq3A_439, %concatenate3A_155, %broadcast_in_dim3A_441 : vector<512x528xi1>, vector<512x528xi32>
      %reduce_min3A_443 = arith.constant dense<2147483647> : vector<512xi32>
      %reduce_min3A_444 = vector.multi_reduction <minsi>, %select_n3A_442, %reduce_min3A_443 [1] : vector<512x528xi32> to vector<512xi32>
      %broadcast_in_dim3A_445 = vector.shape_cast %reduce_min3A_444 : vector<512xi32> to vector<512x1xi32>
      %eq3A_446 = arith.constant 9 : i32
      %eq3A_447 = vector.broadcast %eq3A_446 : i32 to vector<512x16xi32>
      %eq3A_448 = arith.cmpi eq, %iota3A_91, %eq3A_447 : vector<512x16xi32>
      %broadcast_in_dim3A_449 = vector.shape_cast %broadcast_in_dim3A_437 : vector<512x1xf32> to vector<512x1xf32>
      %broadcast_in_dim3A_450 = vector.broadcast %broadcast_in_dim3A_449 : vector<512x1xf32> to vector<512x16xf32>
      %select_n3A_451 = arith.select %eq3A_448, %broadcast_in_dim3A_450, %select_n3A_420 : vector<512x16xi1>, vector<512x16xf32>
      %eq3A_452 = arith.constant 9 : i32
      %eq3A_453 = vector.broadcast %eq3A_452 : i32 to vector<512x16xi32>
      %eq3A_454 = arith.cmpi eq, %iota3A_91, %eq3A_453 : vector<512x16xi32>
      %broadcast_in_dim3A_455 = vector.shape_cast %broadcast_in_dim3A_445 : vector<512x1xi32> to vector<512x1xi32>
      %broadcast_in_dim3A_456 = vector.broadcast %broadcast_in_dim3A_455 : vector<512x1xi32> to vector<512x16xi32>
      %select_n3A_457 = arith.select %eq3A_454, %broadcast_in_dim3A_456, %select_n3A_426 : vector<512x16xi1>, vector<512x16xi32>
      %eq3A_458 = vector.broadcast %broadcast_in_dim3A_437 : vector<512x1xf32> to vector<512x528xf32>
      %eq3A_459 = arith.cmpf oeq, %select_n3A_434, %eq3A_458 : vector<512x528xf32>
      %eq3A_460 = vector.broadcast %broadcast_in_dim3A_445 : vector<512x1xi32> to vector<512x528xi32>
      %eq3A_461 = arith.cmpi eq, %concatenate3A_155, %eq3A_460 : vector<512x528xi32>
      %and3A_462 = arith.andi %eq3A_459, %eq3A_461 : vector<512x528xi1>
      %jit3A_463 = arith.constant 0x7F800000 : f32
      %broadcast_in_dim3A_464 = vector.broadcast %jit3A_463 : f32 to vector<512x528xf32>
      %select_n3A_465 = arith.select %and3A_462, %broadcast_in_dim3A_464, %select_n3A_434 : vector<512x528xi1>, vector<512x528xf32>
      %reduce_min3A_466 = arith.constant dense<0x7F800000> : vector<512xf32>
      %reduce_min3A_467 = vector.multi_reduction <minimumf>, %select_n3A_465, %reduce_min3A_466 [1] : vector<512x528xf32> to vector<512xf32>
      %broadcast_in_dim3A_468 = vector.shape_cast %reduce_min3A_467 : vector<512xf32> to vector<512x1xf32>
      %eq3A_469 = vector.broadcast %broadcast_in_dim3A_468 : vector<512x1xf32> to vector<512x528xf32>
      %eq3A_470 = arith.cmpf oeq, %select_n3A_465, %eq3A_469 : vector<512x528xf32>
      %jit3A_471 = arith.constant 1073741824 : i32
      %broadcast_in_dim3A_472 = vector.broadcast %jit3A_471 : i32 to vector<512x528xi32>
      %select_n3A_473 = arith.select %eq3A_470, %concatenate3A_155, %broadcast_in_dim3A_472 : vector<512x528xi1>, vector<512x528xi32>
      %reduce_min3A_474 = arith.constant dense<2147483647> : vector<512xi32>
      %reduce_min3A_475 = vector.multi_reduction <minsi>, %select_n3A_473, %reduce_min3A_474 [1] : vector<512x528xi32> to vector<512xi32>
      %broadcast_in_dim3A_476 = vector.shape_cast %reduce_min3A_475 : vector<512xi32> to vector<512x1xi32>
      %eq3A_477 = arith.constant 10 : i32
      %eq3A_478 = vector.broadcast %eq3A_477 : i32 to vector<512x16xi32>
      %eq3A_479 = arith.cmpi eq, %iota3A_91, %eq3A_478 : vector<512x16xi32>
      %broadcast_in_dim3A_480 = vector.shape_cast %broadcast_in_dim3A_468 : vector<512x1xf32> to vector<512x1xf32>
      %broadcast_in_dim3A_481 = vector.broadcast %broadcast_in_dim3A_480 : vector<512x1xf32> to vector<512x16xf32>
      %select_n3A_482 = arith.select %eq3A_479, %broadcast_in_dim3A_481, %select_n3A_451 : vector<512x16xi1>, vector<512x16xf32>
      %eq3A_483 = arith.constant 10 : i32
      %eq3A_484 = vector.broadcast %eq3A_483 : i32 to vector<512x16xi32>
      %eq3A_485 = arith.cmpi eq, %iota3A_91, %eq3A_484 : vector<512x16xi32>
      %broadcast_in_dim3A_486 = vector.shape_cast %broadcast_in_dim3A_476 : vector<512x1xi32> to vector<512x1xi32>
      %broadcast_in_dim3A_487 = vector.broadcast %broadcast_in_dim3A_486 : vector<512x1xi32> to vector<512x16xi32>
      %select_n3A_488 = arith.select %eq3A_485, %broadcast_in_dim3A_487, %select_n3A_457 : vector<512x16xi1>, vector<512x16xi32>
      %eq3A_489 = vector.broadcast %broadcast_in_dim3A_468 : vector<512x1xf32> to vector<512x528xf32>
      %eq3A_490 = arith.cmpf oeq, %select_n3A_465, %eq3A_489 : vector<512x528xf32>
      %eq3A_491 = vector.broadcast %broadcast_in_dim3A_476 : vector<512x1xi32> to vector<512x528xi32>
      %eq3A_492 = arith.cmpi eq, %concatenate3A_155, %eq3A_491 : vector<512x528xi32>
      %and3A_493 = arith.andi %eq3A_490, %eq3A_492 : vector<512x528xi1>
      %jit3A_494 = arith.constant 0x7F800000 : f32
      %broadcast_in_dim3A_495 = vector.broadcast %jit3A_494 : f32 to vector<512x528xf32>
      %select_n3A_496 = arith.select %and3A_493, %broadcast_in_dim3A_495, %select_n3A_465 : vector<512x528xi1>, vector<512x528xf32>
      %reduce_min3A_497 = arith.constant dense<0x7F800000> : vector<512xf32>
      %reduce_min3A_498 = vector.multi_reduction <minimumf>, %select_n3A_496, %reduce_min3A_497 [1] : vector<512x528xf32> to vector<512xf32>
      %broadcast_in_dim3A_499 = vector.shape_cast %reduce_min3A_498 : vector<512xf32> to vector<512x1xf32>
      %eq3A_500 = vector.broadcast %broadcast_in_dim3A_499 : vector<512x1xf32> to vector<512x528xf32>
      %eq3A_501 = arith.cmpf oeq, %select_n3A_496, %eq3A_500 : vector<512x528xf32>
      %jit3A_502 = arith.constant 1073741824 : i32
      %broadcast_in_dim3A_503 = vector.broadcast %jit3A_502 : i32 to vector<512x528xi32>
      %select_n3A_504 = arith.select %eq3A_501, %concatenate3A_155, %broadcast_in_dim3A_503 : vector<512x528xi1>, vector<512x528xi32>
      %reduce_min3A_505 = arith.constant dense<2147483647> : vector<512xi32>
      %reduce_min3A_506 = vector.multi_reduction <minsi>, %select_n3A_504, %reduce_min3A_505 [1] : vector<512x528xi32> to vector<512xi32>
      %broadcast_in_dim3A_507 = vector.shape_cast %reduce_min3A_506 : vector<512xi32> to vector<512x1xi32>
      %eq3A_508 = arith.constant 11 : i32
      %eq3A_509 = vector.broadcast %eq3A_508 : i32 to vector<512x16xi32>
      %eq3A_510 = arith.cmpi eq, %iota3A_91, %eq3A_509 : vector<512x16xi32>
      %broadcast_in_dim3A_511 = vector.shape_cast %broadcast_in_dim3A_499 : vector<512x1xf32> to vector<512x1xf32>
      %broadcast_in_dim3A_512 = vector.broadcast %broadcast_in_dim3A_511 : vector<512x1xf32> to vector<512x16xf32>
      %select_n3A_513 = arith.select %eq3A_510, %broadcast_in_dim3A_512, %select_n3A_482 : vector<512x16xi1>, vector<512x16xf32>
      %eq3A_514 = arith.constant 11 : i32
      %eq3A_515 = vector.broadcast %eq3A_514 : i32 to vector<512x16xi32>
      %eq3A_516 = arith.cmpi eq, %iota3A_91, %eq3A_515 : vector<512x16xi32>
      %broadcast_in_dim3A_517 = vector.shape_cast %broadcast_in_dim3A_507 : vector<512x1xi32> to vector<512x1xi32>
      %broadcast_in_dim3A_518 = vector.broadcast %broadcast_in_dim3A_517 : vector<512x1xi32> to vector<512x16xi32>
      %select_n3A_519 = arith.select %eq3A_516, %broadcast_in_dim3A_518, %select_n3A_488 : vector<512x16xi1>, vector<512x16xi32>
      %eq3A_520 = vector.broadcast %broadcast_in_dim3A_499 : vector<512x1xf32> to vector<512x528xf32>
      %eq3A_521 = arith.cmpf oeq, %select_n3A_496, %eq3A_520 : vector<512x528xf32>
      %eq3A_522 = vector.broadcast %broadcast_in_dim3A_507 : vector<512x1xi32> to vector<512x528xi32>
      %eq3A_523 = arith.cmpi eq, %concatenate3A_155, %eq3A_522 : vector<512x528xi32>
      %and3A_524 = arith.andi %eq3A_521, %eq3A_523 : vector<512x528xi1>
      %jit3A_525 = arith.constant 0x7F800000 : f32
      %broadcast_in_dim3A_526 = vector.broadcast %jit3A_525 : f32 to vector<512x528xf32>
      %select_n3A_527 = arith.select %and3A_524, %broadcast_in_dim3A_526, %select_n3A_496 : vector<512x528xi1>, vector<512x528xf32>
      %reduce_min3A_528 = arith.constant dense<0x7F800000> : vector<512xf32>
      %reduce_min3A_529 = vector.multi_reduction <minimumf>, %select_n3A_527, %reduce_min3A_528 [1] : vector<512x528xf32> to vector<512xf32>
      %broadcast_in_dim3A_530 = vector.shape_cast %reduce_min3A_529 : vector<512xf32> to vector<512x1xf32>
      %eq3A_531 = vector.broadcast %broadcast_in_dim3A_530 : vector<512x1xf32> to vector<512x528xf32>
      %eq3A_532 = arith.cmpf oeq, %select_n3A_527, %eq3A_531 : vector<512x528xf32>
      %jit3A_533 = arith.constant 1073741824 : i32
      %broadcast_in_dim3A_534 = vector.broadcast %jit3A_533 : i32 to vector<512x528xi32>
      %select_n3A_535 = arith.select %eq3A_532, %concatenate3A_155, %broadcast_in_dim3A_534 : vector<512x528xi1>, vector<512x528xi32>
      %reduce_min3A_536 = arith.constant dense<2147483647> : vector<512xi32>
      %reduce_min3A_537 = vector.multi_reduction <minsi>, %select_n3A_535, %reduce_min3A_536 [1] : vector<512x528xi32> to vector<512xi32>
      %broadcast_in_dim3A_538 = vector.shape_cast %reduce_min3A_537 : vector<512xi32> to vector<512x1xi32>
      %eq3A_539 = arith.constant 12 : i32
      %eq3A_540 = vector.broadcast %eq3A_539 : i32 to vector<512x16xi32>
      %eq3A_541 = arith.cmpi eq, %iota3A_91, %eq3A_540 : vector<512x16xi32>
      %broadcast_in_dim3A_542 = vector.shape_cast %broadcast_in_dim3A_530 : vector<512x1xf32> to vector<512x1xf32>
      %broadcast_in_dim3A_543 = vector.broadcast %broadcast_in_dim3A_542 : vector<512x1xf32> to vector<512x16xf32>
      %select_n3A_544 = arith.select %eq3A_541, %broadcast_in_dim3A_543, %select_n3A_513 : vector<512x16xi1>, vector<512x16xf32>
      %eq3A_545 = arith.constant 12 : i32
      %eq3A_546 = vector.broadcast %eq3A_545 : i32 to vector<512x16xi32>
      %eq3A_547 = arith.cmpi eq, %iota3A_91, %eq3A_546 : vector<512x16xi32>
      %broadcast_in_dim3A_548 = vector.shape_cast %broadcast_in_dim3A_538 : vector<512x1xi32> to vector<512x1xi32>
      %broadcast_in_dim3A_549 = vector.broadcast %broadcast_in_dim3A_548 : vector<512x1xi32> to vector<512x16xi32>
      %select_n3A_550 = arith.select %eq3A_547, %broadcast_in_dim3A_549, %select_n3A_519 : vector<512x16xi1>, vector<512x16xi32>
      %eq3A_551 = vector.broadcast %broadcast_in_dim3A_530 : vector<512x1xf32> to vector<512x528xf32>
      %eq3A_552 = arith.cmpf oeq, %select_n3A_527, %eq3A_551 : vector<512x528xf32>
      %eq3A_553 = vector.broadcast %broadcast_in_dim3A_538 : vector<512x1xi32> to vector<512x528xi32>
      %eq3A_554 = arith.cmpi eq, %concatenate3A_155, %eq3A_553 : vector<512x528xi32>
      %and3A_555 = arith.andi %eq3A_552, %eq3A_554 : vector<512x528xi1>
      %jit3A_556 = arith.constant 0x7F800000 : f32
      %broadcast_in_dim3A_557 = vector.broadcast %jit3A_556 : f32 to vector<512x528xf32>
      %select_n3A_558 = arith.select %and3A_555, %broadcast_in_dim3A_557, %select_n3A_527 : vector<512x528xi1>, vector<512x528xf32>
      %reduce_min3A_559 = arith.constant dense<0x7F800000> : vector<512xf32>
      %reduce_min3A_560 = vector.multi_reduction <minimumf>, %select_n3A_558, %reduce_min3A_559 [1] : vector<512x528xf32> to vector<512xf32>
      %broadcast_in_dim3A_561 = vector.shape_cast %reduce_min3A_560 : vector<512xf32> to vector<512x1xf32>
      %eq3A_562 = vector.broadcast %broadcast_in_dim3A_561 : vector<512x1xf32> to vector<512x528xf32>
      %eq3A_563 = arith.cmpf oeq, %select_n3A_558, %eq3A_562 : vector<512x528xf32>
      %jit3A_564 = arith.constant 1073741824 : i32
      %broadcast_in_dim3A_565 = vector.broadcast %jit3A_564 : i32 to vector<512x528xi32>
      %select_n3A_566 = arith.select %eq3A_563, %concatenate3A_155, %broadcast_in_dim3A_565 : vector<512x528xi1>, vector<512x528xi32>
      %reduce_min3A_567 = arith.constant dense<2147483647> : vector<512xi32>
      %reduce_min3A_568 = vector.multi_reduction <minsi>, %select_n3A_566, %reduce_min3A_567 [1] : vector<512x528xi32> to vector<512xi32>
      %broadcast_in_dim3A_569 = vector.shape_cast %reduce_min3A_568 : vector<512xi32> to vector<512x1xi32>
      %eq3A_570 = arith.constant 13 : i32
      %eq3A_571 = vector.broadcast %eq3A_570 : i32 to vector<512x16xi32>
      %eq3A_572 = arith.cmpi eq, %iota3A_91, %eq3A_571 : vector<512x16xi32>
      %broadcast_in_dim3A_573 = vector.shape_cast %broadcast_in_dim3A_561 : vector<512x1xf32> to vector<512x1xf32>
      %broadcast_in_dim3A_574 = vector.broadcast %broadcast_in_dim3A_573 : vector<512x1xf32> to vector<512x16xf32>
      %select_n3A_575 = arith.select %eq3A_572, %broadcast_in_dim3A_574, %select_n3A_544 : vector<512x16xi1>, vector<512x16xf32>
      %eq3A_576 = arith.constant 13 : i32
      %eq3A_577 = vector.broadcast %eq3A_576 : i32 to vector<512x16xi32>
      %eq3A_578 = arith.cmpi eq, %iota3A_91, %eq3A_577 : vector<512x16xi32>
      %broadcast_in_dim3A_579 = vector.shape_cast %broadcast_in_dim3A_569 : vector<512x1xi32> to vector<512x1xi32>
      %broadcast_in_dim3A_580 = vector.broadcast %broadcast_in_dim3A_579 : vector<512x1xi32> to vector<512x16xi32>
      %select_n3A_581 = arith.select %eq3A_578, %broadcast_in_dim3A_580, %select_n3A_550 : vector<512x16xi1>, vector<512x16xi32>
      %eq3A_582 = vector.broadcast %broadcast_in_dim3A_561 : vector<512x1xf32> to vector<512x528xf32>
      %eq3A_583 = arith.cmpf oeq, %select_n3A_558, %eq3A_582 : vector<512x528xf32>
      %eq3A_584 = vector.broadcast %broadcast_in_dim3A_569 : vector<512x1xi32> to vector<512x528xi32>
      %eq3A_585 = arith.cmpi eq, %concatenate3A_155, %eq3A_584 : vector<512x528xi32>
      %and3A_586 = arith.andi %eq3A_583, %eq3A_585 : vector<512x528xi1>
      %jit3A_587 = arith.constant 0x7F800000 : f32
      %broadcast_in_dim3A_588 = vector.broadcast %jit3A_587 : f32 to vector<512x528xf32>
      %select_n3A_589 = arith.select %and3A_586, %broadcast_in_dim3A_588, %select_n3A_558 : vector<512x528xi1>, vector<512x528xf32>
      %reduce_min3A_590 = arith.constant dense<0x7F800000> : vector<512xf32>
      %reduce_min3A_591 = vector.multi_reduction <minimumf>, %select_n3A_589, %reduce_min3A_590 [1] : vector<512x528xf32> to vector<512xf32>
      %broadcast_in_dim3A_592 = vector.shape_cast %reduce_min3A_591 : vector<512xf32> to vector<512x1xf32>
      %eq3A_593 = vector.broadcast %broadcast_in_dim3A_592 : vector<512x1xf32> to vector<512x528xf32>
      %eq3A_594 = arith.cmpf oeq, %select_n3A_589, %eq3A_593 : vector<512x528xf32>
      %jit3A_595 = arith.constant 1073741824 : i32
      %broadcast_in_dim3A_596 = vector.broadcast %jit3A_595 : i32 to vector<512x528xi32>
      %select_n3A_597 = arith.select %eq3A_594, %concatenate3A_155, %broadcast_in_dim3A_596 : vector<512x528xi1>, vector<512x528xi32>
      %reduce_min3A_598 = arith.constant dense<2147483647> : vector<512xi32>
      %reduce_min3A_599 = vector.multi_reduction <minsi>, %select_n3A_597, %reduce_min3A_598 [1] : vector<512x528xi32> to vector<512xi32>
      %broadcast_in_dim3A_600 = vector.shape_cast %reduce_min3A_599 : vector<512xi32> to vector<512x1xi32>
      %eq3A_601 = arith.constant 14 : i32
      %eq3A_602 = vector.broadcast %eq3A_601 : i32 to vector<512x16xi32>
      %eq3A_603 = arith.cmpi eq, %iota3A_91, %eq3A_602 : vector<512x16xi32>
      %broadcast_in_dim3A_604 = vector.shape_cast %broadcast_in_dim3A_592 : vector<512x1xf32> to vector<512x1xf32>
      %broadcast_in_dim3A_605 = vector.broadcast %broadcast_in_dim3A_604 : vector<512x1xf32> to vector<512x16xf32>
      %select_n3A_606 = arith.select %eq3A_603, %broadcast_in_dim3A_605, %select_n3A_575 : vector<512x16xi1>, vector<512x16xf32>
      %eq3A_607 = arith.constant 14 : i32
      %eq3A_608 = vector.broadcast %eq3A_607 : i32 to vector<512x16xi32>
      %eq3A_609 = arith.cmpi eq, %iota3A_91, %eq3A_608 : vector<512x16xi32>
      %broadcast_in_dim3A_610 = vector.shape_cast %broadcast_in_dim3A_600 : vector<512x1xi32> to vector<512x1xi32>
      %broadcast_in_dim3A_611 = vector.broadcast %broadcast_in_dim3A_610 : vector<512x1xi32> to vector<512x16xi32>
      %select_n3A_612 = arith.select %eq3A_609, %broadcast_in_dim3A_611, %select_n3A_581 : vector<512x16xi1>, vector<512x16xi32>
      %eq3A_613 = vector.broadcast %broadcast_in_dim3A_592 : vector<512x1xf32> to vector<512x528xf32>
      %eq3A_614 = arith.cmpf oeq, %select_n3A_589, %eq3A_613 : vector<512x528xf32>
      %eq3A_615 = vector.broadcast %broadcast_in_dim3A_600 : vector<512x1xi32> to vector<512x528xi32>
      %eq3A_616 = arith.cmpi eq, %concatenate3A_155, %eq3A_615 : vector<512x528xi32>
      %and3A_617 = arith.andi %eq3A_614, %eq3A_616 : vector<512x528xi1>
      %jit3A_618 = arith.constant 0x7F800000 : f32
      %broadcast_in_dim3A_619 = vector.broadcast %jit3A_618 : f32 to vector<512x528xf32>
      %select_n3A_620 = arith.select %and3A_617, %broadcast_in_dim3A_619, %select_n3A_589 : vector<512x528xi1>, vector<512x528xf32>
      %reduce_min3A_621 = arith.constant dense<0x7F800000> : vector<512xf32>
      %reduce_min3A_622 = vector.multi_reduction <minimumf>, %select_n3A_620, %reduce_min3A_621 [1] : vector<512x528xf32> to vector<512xf32>
      %broadcast_in_dim3A_623 = vector.shape_cast %reduce_min3A_622 : vector<512xf32> to vector<512x1xf32>
      %eq3A_624 = vector.broadcast %broadcast_in_dim3A_623 : vector<512x1xf32> to vector<512x528xf32>
      %eq3A_625 = arith.cmpf oeq, %select_n3A_620, %eq3A_624 : vector<512x528xf32>
      %jit3A_626 = arith.constant 1073741824 : i32
      %broadcast_in_dim3A_627 = vector.broadcast %jit3A_626 : i32 to vector<512x528xi32>
      %select_n3A_628 = arith.select %eq3A_625, %concatenate3A_155, %broadcast_in_dim3A_627 : vector<512x528xi1>, vector<512x528xi32>
      %reduce_min3A_629 = arith.constant dense<2147483647> : vector<512xi32>
      %reduce_min3A_630 = vector.multi_reduction <minsi>, %select_n3A_628, %reduce_min3A_629 [1] : vector<512x528xi32> to vector<512xi32>
      %broadcast_in_dim3A_631 = vector.shape_cast %reduce_min3A_630 : vector<512xi32> to vector<512x1xi32>
      %eq3A_632 = arith.constant 15 : i32
      %eq3A_633 = vector.broadcast %eq3A_632 : i32 to vector<512x16xi32>
      %eq3A_634 = arith.cmpi eq, %iota3A_91, %eq3A_633 : vector<512x16xi32>
      %broadcast_in_dim3A_635 = vector.shape_cast %broadcast_in_dim3A_623 : vector<512x1xf32> to vector<512x1xf32>
      %broadcast_in_dim3A_636 = vector.broadcast %broadcast_in_dim3A_635 : vector<512x1xf32> to vector<512x16xf32>
      %select_n3A_637 = arith.select %eq3A_634, %broadcast_in_dim3A_636, %select_n3A_606 : vector<512x16xi1>, vector<512x16xf32>
      %eq3A_638 = arith.constant 15 : i32
      %eq3A_639 = vector.broadcast %eq3A_638 : i32 to vector<512x16xi32>
      %eq3A_640 = arith.cmpi eq, %iota3A_91, %eq3A_639 : vector<512x16xi32>
      %broadcast_in_dim3A_641 = vector.shape_cast %broadcast_in_dim3A_631 : vector<512x1xi32> to vector<512x1xi32>
      %broadcast_in_dim3A_642 = vector.broadcast %broadcast_in_dim3A_641 : vector<512x1xi32> to vector<512x16xi32>
      %select_n3A_643 = arith.select %eq3A_640, %broadcast_in_dim3A_642, %select_n3A_612 : vector<512x16xi1>, vector<512x16xi32>
      %eq3A_644 = vector.broadcast %broadcast_in_dim3A_623 : vector<512x1xf32> to vector<512x528xf32>
      %eq3A_645 = arith.cmpf oeq, %select_n3A_620, %eq3A_644 : vector<512x528xf32>
      %eq3A_646 = vector.broadcast %broadcast_in_dim3A_631 : vector<512x1xi32> to vector<512x528xi32>
      %eq3A_647 = arith.cmpi eq, %concatenate3A_155, %eq3A_646 : vector<512x528xi32>
      %and3A_648 = arith.andi %eq3A_645, %eq3A_647 : vector<512x528xi1>
      %jit3A_649 = arith.constant 0x7F800000 : f32
      %broadcast_in_dim3A_650 = vector.broadcast %jit3A_649 : f32 to vector<512x528xf32>
      %select_n3A_651 = arith.select %and3A_648, %broadcast_in_dim3A_650, %select_n3A_620 : vector<512x528xi1>, vector<512x528xf32>
      scf.yield %select_n3A_637, %select_n3A_643 : vector<512x16xf32>, vector<512x16xi32>
    }
    %while3A_103 = arith.constant 1 : i32
    %while3A_104:2 = scf.for %while3A_107 = %while3A_100 to %while3A_96 step %while3A_103 iter_args(%while3A_108 = %while3A_102#0, %while3A_109 = %while3A_102#1) -> (vector<512x16xf32>, vector<512x16xi32>)  : i32 {
      %mul3A_110 = arith.constant 512 : i32
      %mul3A_111 = arith.muli %while3A_107, %mul3A_110 : i32
      %get3A_112 = arith.constant 0 : index
      %get3A_113 = arith.index_cast %mul3A_111 : i32 to index
      %get3A_114 = vector.load %arg2[%get3A_112, %get3A_113] : memref<3x8192xf32, #tpu.memory_space<vmem>>, vector<3x512xf32>
      %slice3A_115 = vector.extract_strided_slice %get3A_114 {offsets = [0, 0], sizes = [1, 512], strides = [1, 1]} : vector<3x512xf32> to vector<1x512xf32>
      %slice3A_116 = vector.extract_strided_slice %get3A_114 {offsets = [1, 0], sizes = [1, 512], strides = [1, 1]} : vector<3x512xf32> to vector<1x512xf32>
      %slice3A_117 = vector.extract_strided_slice %get3A_114 {offsets = [2, 0], sizes = [1, 512], strides = [1, 1]} : vector<3x512xf32> to vector<1x512xf32>
      %mul3A_118 = vector.broadcast %slice3A : vector<512x1xf32> to vector<512x512xf32>
      %mul3A_119 = vector.broadcast %slice3A_115 : vector<1x512xf32> to vector<512x512xf32>
      %mul3A_120 = arith.mulf %mul3A_118, %mul3A_119 : vector<512x512xf32>
      %mul3A_121 = vector.broadcast %slice3A_2 : vector<512x1xf32> to vector<512x512xf32>
      %mul3A_122 = vector.broadcast %slice3A_116 : vector<1x512xf32> to vector<512x512xf32>
      %mul3A_123 = arith.mulf %mul3A_121, %mul3A_122 : vector<512x512xf32>
      %add3A_124 = arith.addf %mul3A_120, %mul3A_123 : vector<512x512xf32>
      %mul3A_125 = vector.broadcast %slice3A_3 : vector<512x1xf32> to vector<512x512xf32>
      %mul3A_126 = vector.broadcast %slice3A_117 : vector<1x512xf32> to vector<512x512xf32>
      %mul3A_127 = arith.mulf %mul3A_125, %mul3A_126 : vector<512x512xf32>
      %add3A_128 = arith.addf %add3A_124, %mul3A_127 : vector<512x512xf32>
      %mul3A_129 = arith.mulf %slice3A_115, %slice3A_115 : vector<1x512xf32>
      %mul3A_130 = arith.mulf %slice3A_116, %slice3A_116 : vector<1x512xf32>
      %add3A_131 = arith.addf %mul3A_129, %mul3A_130 : vector<1x512xf32>
      %mul3A_132 = arith.mulf %slice3A_117, %slice3A_117 : vector<1x512xf32>
      %add3A_133 = arith.addf %add3A_131, %mul3A_132 : vector<1x512xf32>
      %add3A_134 = vector.broadcast %add3A_6 : vector<512x1xf32> to vector<512x512xf32>
      %add3A_135 = vector.broadcast %add3A_133 : vector<1x512xf32> to vector<512x512xf32>
      %add3A_136 = arith.addf %add3A_134, %add3A_135 : vector<512x512xf32>
      %mul3A_137 = arith.constant 2.000000e+00 : f32
      %mul3A_138 = vector.broadcast %mul3A_137 : f32 to vector<512x512xf32>
      %mul3A_139 = arith.mulf %mul3A_138, %add3A_128 : vector<512x512xf32>
      %sub3A_140 = arith.subf %add3A_136, %mul3A_139 : vector<512x512xf32>
      %iota3A_141 = tpu.iota {dimensions = array<i32: 1>} : vector<512x512xi32>
      %add3A_142 = vector.broadcast %mul3A_111 : i32 to vector<512x512xi32>
      %add3A_143 = arith.addi %add3A_142, %iota3A_141 : vector<512x512xi32>
      %get3A_144 = arith.constant 0 : index
      %get3A_145 = arith.index_cast %mul3A_111 : i32 to index
      %get3A_146 = vector.load %arg4[%get3A_144, %get3A_145] : memref<1x8192xi32, #tpu.memory_space<vmem>>, vector<1x512xi32>
      %ne3A_147 = vector.broadcast %get3A_9 : vector<512x1xi32> to vector<512x512xi32>
      %ne3A_148 = vector.broadcast %get3A_146 : vector<1x512xi32> to vector<512x512xi32>
      %ne3A_149 = arith.cmpi ne, %ne3A_147, %ne3A_148 : vector<512x512xi32>
      %eq3A_150 = vector.broadcast %add3A_13 : vector<512x1xi32> to vector<512x512xi32>
      %eq3A_151 = arith.cmpi eq, %add3A_143, %eq3A_150 : vector<512x512xi32>
      %or3A = arith.ori %ne3A_149, %eq3A_151 : vector<512x512xi1>
      %jit3A_152 = arith.constant 3.000000e+38 : f32
      %broadcast_in_dim3A_153 = vector.broadcast %jit3A_152 : f32 to vector<512x512xf32>
      %select_n3A_154 = arith.select %or3A, %broadcast_in_dim3A_153, %sub3A_140 : vector<512x512xi1>, vector<512x512xf32>
      %concatenate3A = tpu.concatenate %while3A_108, %select_n3A_154 in 1 : vector<512x16xf32>, vector<512x512xf32> -> vector<512x528xf32>
      %concatenate3A_155 = tpu.concatenate %while3A_109, %add3A_143 in 1 : vector<512x16xi32>, vector<512x512xi32> -> vector<512x528xi32>
      %reduce_min3A_156 = arith.constant dense<0x7F800000> : vector<512xf32>
      %reduce_min3A_157 = vector.multi_reduction <minimumf>, %concatenate3A, %reduce_min3A_156 [1] : vector<512x528xf32> to vector<512xf32>
      %broadcast_in_dim3A_158 = vector.shape_cast %reduce_min3A_157 : vector<512xf32> to vector<512x1xf32>
      %eq3A_159 = vector.broadcast %broadcast_in_dim3A_158 : vector<512x1xf32> to vector<512x528xf32>
      %eq3A_160 = arith.cmpf oeq, %concatenate3A, %eq3A_159 : vector<512x528xf32>
      %jit3A_161 = arith.constant 1073741824 : i32
      %broadcast_in_dim3A_162 = vector.broadcast %jit3A_161 : i32 to vector<512x528xi32>
      %select_n3A_163 = arith.select %eq3A_160, %concatenate3A_155, %broadcast_in_dim3A_162 : vector<512x528xi1>, vector<512x528xi32>
      %reduce_min3A_164 = arith.constant dense<2147483647> : vector<512xi32>
      %reduce_min3A_165 = vector.multi_reduction <minsi>, %select_n3A_163, %reduce_min3A_164 [1] : vector<512x528xi32> to vector<512xi32>
      %broadcast_in_dim3A_166 = vector.shape_cast %reduce_min3A_165 : vector<512xi32> to vector<512x1xi32>
      %eq3A_167 = arith.constant 0 : i32
      %eq3A_168 = vector.broadcast %eq3A_167 : i32 to vector<512x16xi32>
      %eq3A_169 = arith.cmpi eq, %iota3A_91, %eq3A_168 : vector<512x16xi32>
      %broadcast_in_dim3A_170 = vector.shape_cast %broadcast_in_dim3A_158 : vector<512x1xf32> to vector<512x1xf32>
      %broadcast_in_dim3A_171 = vector.broadcast %broadcast_in_dim3A_170 : vector<512x1xf32> to vector<512x16xf32>
      %select_n3A_172 = arith.select %eq3A_169, %broadcast_in_dim3A_171, %while3A_108 : vector<512x16xi1>, vector<512x16xf32>
      %eq3A_173 = arith.constant 0 : i32
      %eq3A_174 = vector.broadcast %eq3A_173 : i32 to vector<512x16xi32>
      %eq3A_175 = arith.cmpi eq, %iota3A_91, %eq3A_174 : vector<512x16xi32>
      %broadcast_in_dim3A_176 = vector.shape_cast %broadcast_in_dim3A_166 : vector<512x1xi32> to vector<512x1xi32>
      %broadcast_in_dim3A_177 = vector.broadcast %broadcast_in_dim3A_176 : vector<512x1xi32> to vector<512x16xi32>
      %select_n3A_178 = arith.select %eq3A_175, %broadcast_in_dim3A_177, %while3A_109 : vector<512x16xi1>, vector<512x16xi32>
      %eq3A_179 = vector.broadcast %broadcast_in_dim3A_158 : vector<512x1xf32> to vector<512x528xf32>
      %eq3A_180 = arith.cmpf oeq, %concatenate3A, %eq3A_179 : vector<512x528xf32>
      %eq3A_181 = vector.broadcast %broadcast_in_dim3A_166 : vector<512x1xi32> to vector<512x528xi32>
      %eq3A_182 = arith.cmpi eq, %concatenate3A_155, %eq3A_181 : vector<512x528xi32>
      %and3A_183 = arith.andi %eq3A_180, %eq3A_182 : vector<512x528xi1>
      %jit3A_184 = arith.constant 0x7F800000 : f32
      %broadcast_in_dim3A_185 = vector.broadcast %jit3A_184 : f32 to vector<512x528xf32>
      %select_n3A_186 = arith.select %and3A_183, %broadcast_in_dim3A_185, %concatenate3A : vector<512x528xi1>, vector<512x528xf32>
      %reduce_min3A_187 = arith.constant dense<0x7F800000> : vector<512xf32>
      %reduce_min3A_188 = vector.multi_reduction <minimumf>, %select_n3A_186, %reduce_min3A_187 [1] : vector<512x528xf32> to vector<512xf32>
      %broadcast_in_dim3A_189 = vector.shape_cast %reduce_min3A_188 : vector<512xf32> to vector<512x1xf32>
      %eq3A_190 = vector.broadcast %broadcast_in_dim3A_189 : vector<512x1xf32> to vector<512x528xf32>
      %eq3A_191 = arith.cmpf oeq, %select_n3A_186, %eq3A_190 : vector<512x528xf32>
      %jit3A_192 = arith.constant 1073741824 : i32
      %broadcast_in_dim3A_193 = vector.broadcast %jit3A_192 : i32 to vector<512x528xi32>
      %select_n3A_194 = arith.select %eq3A_191, %concatenate3A_155, %broadcast_in_dim3A_193 : vector<512x528xi1>, vector<512x528xi32>
      %reduce_min3A_195 = arith.constant dense<2147483647> : vector<512xi32>
      %reduce_min3A_196 = vector.multi_reduction <minsi>, %select_n3A_194, %reduce_min3A_195 [1] : vector<512x528xi32> to vector<512xi32>
      %broadcast_in_dim3A_197 = vector.shape_cast %reduce_min3A_196 : vector<512xi32> to vector<512x1xi32>
      %eq3A_198 = arith.constant 1 : i32
      %eq3A_199 = vector.broadcast %eq3A_198 : i32 to vector<512x16xi32>
      %eq3A_200 = arith.cmpi eq, %iota3A_91, %eq3A_199 : vector<512x16xi32>
      %broadcast_in_dim3A_201 = vector.shape_cast %broadcast_in_dim3A_189 : vector<512x1xf32> to vector<512x1xf32>
      %broadcast_in_dim3A_202 = vector.broadcast %broadcast_in_dim3A_201 : vector<512x1xf32> to vector<512x16xf32>
      %select_n3A_203 = arith.select %eq3A_200, %broadcast_in_dim3A_202, %select_n3A_172 : vector<512x16xi1>, vector<512x16xf32>
      %eq3A_204 = arith.constant 1 : i32
      %eq3A_205 = vector.broadcast %eq3A_204 : i32 to vector<512x16xi32>
      %eq3A_206 = arith.cmpi eq, %iota3A_91, %eq3A_205 : vector<512x16xi32>
      %broadcast_in_dim3A_207 = vector.shape_cast %broadcast_in_dim3A_197 : vector<512x1xi32> to vector<512x1xi32>
      %broadcast_in_dim3A_208 = vector.broadcast %broadcast_in_dim3A_207 : vector<512x1xi32> to vector<512x16xi32>
      %select_n3A_209 = arith.select %eq3A_206, %broadcast_in_dim3A_208, %select_n3A_178 : vector<512x16xi1>, vector<512x16xi32>
      %eq3A_210 = vector.broadcast %broadcast_in_dim3A_189 : vector<512x1xf32> to vector<512x528xf32>
      %eq3A_211 = arith.cmpf oeq, %select_n3A_186, %eq3A_210 : vector<512x528xf32>
      %eq3A_212 = vector.broadcast %broadcast_in_dim3A_197 : vector<512x1xi32> to vector<512x528xi32>
      %eq3A_213 = arith.cmpi eq, %concatenate3A_155, %eq3A_212 : vector<512x528xi32>
      %and3A_214 = arith.andi %eq3A_211, %eq3A_213 : vector<512x528xi1>
      %jit3A_215 = arith.constant 0x7F800000 : f32
      %broadcast_in_dim3A_216 = vector.broadcast %jit3A_215 : f32 to vector<512x528xf32>
      %select_n3A_217 = arith.select %and3A_214, %broadcast_in_dim3A_216, %select_n3A_186 : vector<512x528xi1>, vector<512x528xf32>
      %reduce_min3A_218 = arith.constant dense<0x7F800000> : vector<512xf32>
      %reduce_min3A_219 = vector.multi_reduction <minimumf>, %select_n3A_217, %reduce_min3A_218 [1] : vector<512x528xf32> to vector<512xf32>
      %broadcast_in_dim3A_220 = vector.shape_cast %reduce_min3A_219 : vector<512xf32> to vector<512x1xf32>
      %eq3A_221 = vector.broadcast %broadcast_in_dim3A_220 : vector<512x1xf32> to vector<512x528xf32>
      %eq3A_222 = arith.cmpf oeq, %select_n3A_217, %eq3A_221 : vector<512x528xf32>
      %jit3A_223 = arith.constant 1073741824 : i32
      %broadcast_in_dim3A_224 = vector.broadcast %jit3A_223 : i32 to vector<512x528xi32>
      %select_n3A_225 = arith.select %eq3A_222, %concatenate3A_155, %broadcast_in_dim3A_224 : vector<512x528xi1>, vector<512x528xi32>
      %reduce_min3A_226 = arith.constant dense<2147483647> : vector<512xi32>
      %reduce_min3A_227 = vector.multi_reduction <minsi>, %select_n3A_225, %reduce_min3A_226 [1] : vector<512x528xi32> to vector<512xi32>
      %broadcast_in_dim3A_228 = vector.shape_cast %reduce_min3A_227 : vector<512xi32> to vector<512x1xi32>
      %eq3A_229 = arith.constant 2 : i32
      %eq3A_230 = vector.broadcast %eq3A_229 : i32 to vector<512x16xi32>
      %eq3A_231 = arith.cmpi eq, %iota3A_91, %eq3A_230 : vector<512x16xi32>
      %broadcast_in_dim3A_232 = vector.shape_cast %broadcast_in_dim3A_220 : vector<512x1xf32> to vector<512x1xf32>
      %broadcast_in_dim3A_233 = vector.broadcast %broadcast_in_dim3A_232 : vector<512x1xf32> to vector<512x16xf32>
      %select_n3A_234 = arith.select %eq3A_231, %broadcast_in_dim3A_233, %select_n3A_203 : vector<512x16xi1>, vector<512x16xf32>
      %eq3A_235 = arith.constant 2 : i32
      %eq3A_236 = vector.broadcast %eq3A_235 : i32 to vector<512x16xi32>
      %eq3A_237 = arith.cmpi eq, %iota3A_91, %eq3A_236 : vector<512x16xi32>
      %broadcast_in_dim3A_238 = vector.shape_cast %broadcast_in_dim3A_228 : vector<512x1xi32> to vector<512x1xi32>
      %broadcast_in_dim3A_239 = vector.broadcast %broadcast_in_dim3A_238 : vector<512x1xi32> to vector<512x16xi32>
      %select_n3A_240 = arith.select %eq3A_237, %broadcast_in_dim3A_239, %select_n3A_209 : vector<512x16xi1>, vector<512x16xi32>
      %eq3A_241 = vector.broadcast %broadcast_in_dim3A_220 : vector<512x1xf32> to vector<512x528xf32>
      %eq3A_242 = arith.cmpf oeq, %select_n3A_217, %eq3A_241 : vector<512x528xf32>
      %eq3A_243 = vector.broadcast %broadcast_in_dim3A_228 : vector<512x1xi32> to vector<512x528xi32>
      %eq3A_244 = arith.cmpi eq, %concatenate3A_155, %eq3A_243 : vector<512x528xi32>
      %and3A_245 = arith.andi %eq3A_242, %eq3A_244 : vector<512x528xi1>
      %jit3A_246 = arith.constant 0x7F800000 : f32
      %broadcast_in_dim3A_247 = vector.broadcast %jit3A_246 : f32 to vector<512x528xf32>
      %select_n3A_248 = arith.select %and3A_245, %broadcast_in_dim3A_247, %select_n3A_217 : vector<512x528xi1>, vector<512x528xf32>
      %reduce_min3A_249 = arith.constant dense<0x7F800000> : vector<512xf32>
      %reduce_min3A_250 = vector.multi_reduction <minimumf>, %select_n3A_248, %reduce_min3A_249 [1] : vector<512x528xf32> to vector<512xf32>
      %broadcast_in_dim3A_251 = vector.shape_cast %reduce_min3A_250 : vector<512xf32> to vector<512x1xf32>
      %eq3A_252 = vector.broadcast %broadcast_in_dim3A_251 : vector<512x1xf32> to vector<512x528xf32>
      %eq3A_253 = arith.cmpf oeq, %select_n3A_248, %eq3A_252 : vector<512x528xf32>
      %jit3A_254 = arith.constant 1073741824 : i32
      %broadcast_in_dim3A_255 = vector.broadcast %jit3A_254 : i32 to vector<512x528xi32>
      %select_n3A_256 = arith.select %eq3A_253, %concatenate3A_155, %broadcast_in_dim3A_255 : vector<512x528xi1>, vector<512x528xi32>
      %reduce_min3A_257 = arith.constant dense<2147483647> : vector<512xi32>
      %reduce_min3A_258 = vector.multi_reduction <minsi>, %select_n3A_256, %reduce_min3A_257 [1] : vector<512x528xi32> to vector<512xi32>
      %broadcast_in_dim3A_259 = vector.shape_cast %reduce_min3A_258 : vector<512xi32> to vector<512x1xi32>
      %eq3A_260 = arith.constant 3 : i32
      %eq3A_261 = vector.broadcast %eq3A_260 : i32 to vector<512x16xi32>
      %eq3A_262 = arith.cmpi eq, %iota3A_91, %eq3A_261 : vector<512x16xi32>
      %broadcast_in_dim3A_263 = vector.shape_cast %broadcast_in_dim3A_251 : vector<512x1xf32> to vector<512x1xf32>
      %broadcast_in_dim3A_264 = vector.broadcast %broadcast_in_dim3A_263 : vector<512x1xf32> to vector<512x16xf32>
      %select_n3A_265 = arith.select %eq3A_262, %broadcast_in_dim3A_264, %select_n3A_234 : vector<512x16xi1>, vector<512x16xf32>
      %eq3A_266 = arith.constant 3 : i32
      %eq3A_267 = vector.broadcast %eq3A_266 : i32 to vector<512x16xi32>
      %eq3A_268 = arith.cmpi eq, %iota3A_91, %eq3A_267 : vector<512x16xi32>
      %broadcast_in_dim3A_269 = vector.shape_cast %broadcast_in_dim3A_259 : vector<512x1xi32> to vector<512x1xi32>
      %broadcast_in_dim3A_270 = vector.broadcast %broadcast_in_dim3A_269 : vector<512x1xi32> to vector<512x16xi32>
      %select_n3A_271 = arith.select %eq3A_268, %broadcast_in_dim3A_270, %select_n3A_240 : vector<512x16xi1>, vector<512x16xi32>
      %eq3A_272 = vector.broadcast %broadcast_in_dim3A_251 : vector<512x1xf32> to vector<512x528xf32>
      %eq3A_273 = arith.cmpf oeq, %select_n3A_248, %eq3A_272 : vector<512x528xf32>
      %eq3A_274 = vector.broadcast %broadcast_in_dim3A_259 : vector<512x1xi32> to vector<512x528xi32>
      %eq3A_275 = arith.cmpi eq, %concatenate3A_155, %eq3A_274 : vector<512x528xi32>
      %and3A_276 = arith.andi %eq3A_273, %eq3A_275 : vector<512x528xi1>
      %jit3A_277 = arith.constant 0x7F800000 : f32
      %broadcast_in_dim3A_278 = vector.broadcast %jit3A_277 : f32 to vector<512x528xf32>
      %select_n3A_279 = arith.select %and3A_276, %broadcast_in_dim3A_278, %select_n3A_248 : vector<512x528xi1>, vector<512x528xf32>
      %reduce_min3A_280 = arith.constant dense<0x7F800000> : vector<512xf32>
      %reduce_min3A_281 = vector.multi_reduction <minimumf>, %select_n3A_279, %reduce_min3A_280 [1] : vector<512x528xf32> to vector<512xf32>
      %broadcast_in_dim3A_282 = vector.shape_cast %reduce_min3A_281 : vector<512xf32> to vector<512x1xf32>
      %eq3A_283 = vector.broadcast %broadcast_in_dim3A_282 : vector<512x1xf32> to vector<512x528xf32>
      %eq3A_284 = arith.cmpf oeq, %select_n3A_279, %eq3A_283 : vector<512x528xf32>
      %jit3A_285 = arith.constant 1073741824 : i32
      %broadcast_in_dim3A_286 = vector.broadcast %jit3A_285 : i32 to vector<512x528xi32>
      %select_n3A_287 = arith.select %eq3A_284, %concatenate3A_155, %broadcast_in_dim3A_286 : vector<512x528xi1>, vector<512x528xi32>
      %reduce_min3A_288 = arith.constant dense<2147483647> : vector<512xi32>
      %reduce_min3A_289 = vector.multi_reduction <minsi>, %select_n3A_287, %reduce_min3A_288 [1] : vector<512x528xi32> to vector<512xi32>
      %broadcast_in_dim3A_290 = vector.shape_cast %reduce_min3A_289 : vector<512xi32> to vector<512x1xi32>
      %eq3A_291 = arith.constant 4 : i32
      %eq3A_292 = vector.broadcast %eq3A_291 : i32 to vector<512x16xi32>
      %eq3A_293 = arith.cmpi eq, %iota3A_91, %eq3A_292 : vector<512x16xi32>
      %broadcast_in_dim3A_294 = vector.shape_cast %broadcast_in_dim3A_282 : vector<512x1xf32> to vector<512x1xf32>
      %broadcast_in_dim3A_295 = vector.broadcast %broadcast_in_dim3A_294 : vector<512x1xf32> to vector<512x16xf32>
      %select_n3A_296 = arith.select %eq3A_293, %broadcast_in_dim3A_295, %select_n3A_265 : vector<512x16xi1>, vector<512x16xf32>
      %eq3A_297 = arith.constant 4 : i32
      %eq3A_298 = vector.broadcast %eq3A_297 : i32 to vector<512x16xi32>
      %eq3A_299 = arith.cmpi eq, %iota3A_91, %eq3A_298 : vector<512x16xi32>
      %broadcast_in_dim3A_300 = vector.shape_cast %broadcast_in_dim3A_290 : vector<512x1xi32> to vector<512x1xi32>
      %broadcast_in_dim3A_301 = vector.broadcast %broadcast_in_dim3A_300 : vector<512x1xi32> to vector<512x16xi32>
      %select_n3A_302 = arith.select %eq3A_299, %broadcast_in_dim3A_301, %select_n3A_271 : vector<512x16xi1>, vector<512x16xi32>
      %eq3A_303 = vector.broadcast %broadcast_in_dim3A_282 : vector<512x1xf32> to vector<512x528xf32>
      %eq3A_304 = arith.cmpf oeq, %select_n3A_279, %eq3A_303 : vector<512x528xf32>
      %eq3A_305 = vector.broadcast %broadcast_in_dim3A_290 : vector<512x1xi32> to vector<512x528xi32>
      %eq3A_306 = arith.cmpi eq, %concatenate3A_155, %eq3A_305 : vector<512x528xi32>
      %and3A_307 = arith.andi %eq3A_304, %eq3A_306 : vector<512x528xi1>
      %jit3A_308 = arith.constant 0x7F800000 : f32
      %broadcast_in_dim3A_309 = vector.broadcast %jit3A_308 : f32 to vector<512x528xf32>
      %select_n3A_310 = arith.select %and3A_307, %broadcast_in_dim3A_309, %select_n3A_279 : vector<512x528xi1>, vector<512x528xf32>
      %reduce_min3A_311 = arith.constant dense<0x7F800000> : vector<512xf32>
      %reduce_min3A_312 = vector.multi_reduction <minimumf>, %select_n3A_310, %reduce_min3A_311 [1] : vector<512x528xf32> to vector<512xf32>
      %broadcast_in_dim3A_313 = vector.shape_cast %reduce_min3A_312 : vector<512xf32> to vector<512x1xf32>
      %eq3A_314 = vector.broadcast %broadcast_in_dim3A_313 : vector<512x1xf32> to vector<512x528xf32>
      %eq3A_315 = arith.cmpf oeq, %select_n3A_310, %eq3A_314 : vector<512x528xf32>
      %jit3A_316 = arith.constant 1073741824 : i32
      %broadcast_in_dim3A_317 = vector.broadcast %jit3A_316 : i32 to vector<512x528xi32>
      %select_n3A_318 = arith.select %eq3A_315, %concatenate3A_155, %broadcast_in_dim3A_317 : vector<512x528xi1>, vector<512x528xi32>
      %reduce_min3A_319 = arith.constant dense<2147483647> : vector<512xi32>
      %reduce_min3A_320 = vector.multi_reduction <minsi>, %select_n3A_318, %reduce_min3A_319 [1] : vector<512x528xi32> to vector<512xi32>
      %broadcast_in_dim3A_321 = vector.shape_cast %reduce_min3A_320 : vector<512xi32> to vector<512x1xi32>
      %eq3A_322 = arith.constant 5 : i32
      %eq3A_323 = vector.broadcast %eq3A_322 : i32 to vector<512x16xi32>
      %eq3A_324 = arith.cmpi eq, %iota3A_91, %eq3A_323 : vector<512x16xi32>
      %broadcast_in_dim3A_325 = vector.shape_cast %broadcast_in_dim3A_313 : vector<512x1xf32> to vector<512x1xf32>
      %broadcast_in_dim3A_326 = vector.broadcast %broadcast_in_dim3A_325 : vector<512x1xf32> to vector<512x16xf32>
      %select_n3A_327 = arith.select %eq3A_324, %broadcast_in_dim3A_326, %select_n3A_296 : vector<512x16xi1>, vector<512x16xf32>
      %eq3A_328 = arith.constant 5 : i32
      %eq3A_329 = vector.broadcast %eq3A_328 : i32 to vector<512x16xi32>
      %eq3A_330 = arith.cmpi eq, %iota3A_91, %eq3A_329 : vector<512x16xi32>
      %broadcast_in_dim3A_331 = vector.shape_cast %broadcast_in_dim3A_321 : vector<512x1xi32> to vector<512x1xi32>
      %broadcast_in_dim3A_332 = vector.broadcast %broadcast_in_dim3A_331 : vector<512x1xi32> to vector<512x16xi32>
      %select_n3A_333 = arith.select %eq3A_330, %broadcast_in_dim3A_332, %select_n3A_302 : vector<512x16xi1>, vector<512x16xi32>
      %eq3A_334 = vector.broadcast %broadcast_in_dim3A_313 : vector<512x1xf32> to vector<512x528xf32>
      %eq3A_335 = arith.cmpf oeq, %select_n3A_310, %eq3A_334 : vector<512x528xf32>
      %eq3A_336 = vector.broadcast %broadcast_in_dim3A_321 : vector<512x1xi32> to vector<512x528xi32>
      %eq3A_337 = arith.cmpi eq, %concatenate3A_155, %eq3A_336 : vector<512x528xi32>
      %and3A_338 = arith.andi %eq3A_335, %eq3A_337 : vector<512x528xi1>
      %jit3A_339 = arith.constant 0x7F800000 : f32
      %broadcast_in_dim3A_340 = vector.broadcast %jit3A_339 : f32 to vector<512x528xf32>
      %select_n3A_341 = arith.select %and3A_338, %broadcast_in_dim3A_340, %select_n3A_310 : vector<512x528xi1>, vector<512x528xf32>
      %reduce_min3A_342 = arith.constant dense<0x7F800000> : vector<512xf32>
      %reduce_min3A_343 = vector.multi_reduction <minimumf>, %select_n3A_341, %reduce_min3A_342 [1] : vector<512x528xf32> to vector<512xf32>
      %broadcast_in_dim3A_344 = vector.shape_cast %reduce_min3A_343 : vector<512xf32> to vector<512x1xf32>
      %eq3A_345 = vector.broadcast %broadcast_in_dim3A_344 : vector<512x1xf32> to vector<512x528xf32>
      %eq3A_346 = arith.cmpf oeq, %select_n3A_341, %eq3A_345 : vector<512x528xf32>
      %jit3A_347 = arith.constant 1073741824 : i32
      %broadcast_in_dim3A_348 = vector.broadcast %jit3A_347 : i32 to vector<512x528xi32>
      %select_n3A_349 = arith.select %eq3A_346, %concatenate3A_155, %broadcast_in_dim3A_348 : vector<512x528xi1>, vector<512x528xi32>
      %reduce_min3A_350 = arith.constant dense<2147483647> : vector<512xi32>
      %reduce_min3A_351 = vector.multi_reduction <minsi>, %select_n3A_349, %reduce_min3A_350 [1] : vector<512x528xi32> to vector<512xi32>
      %broadcast_in_dim3A_352 = vector.shape_cast %reduce_min3A_351 : vector<512xi32> to vector<512x1xi32>
      %eq3A_353 = arith.constant 6 : i32
      %eq3A_354 = vector.broadcast %eq3A_353 : i32 to vector<512x16xi32>
      %eq3A_355 = arith.cmpi eq, %iota3A_91, %eq3A_354 : vector<512x16xi32>
      %broadcast_in_dim3A_356 = vector.shape_cast %broadcast_in_dim3A_344 : vector<512x1xf32> to vector<512x1xf32>
      %broadcast_in_dim3A_357 = vector.broadcast %broadcast_in_dim3A_356 : vector<512x1xf32> to vector<512x16xf32>
      %select_n3A_358 = arith.select %eq3A_355, %broadcast_in_dim3A_357, %select_n3A_327 : vector<512x16xi1>, vector<512x16xf32>
      %eq3A_359 = arith.constant 6 : i32
      %eq3A_360 = vector.broadcast %eq3A_359 : i32 to vector<512x16xi32>
      %eq3A_361 = arith.cmpi eq, %iota3A_91, %eq3A_360 : vector<512x16xi32>
      %broadcast_in_dim3A_362 = vector.shape_cast %broadcast_in_dim3A_352 : vector<512x1xi32> to vector<512x1xi32>
      %broadcast_in_dim3A_363 = vector.broadcast %broadcast_in_dim3A_362 : vector<512x1xi32> to vector<512x16xi32>
      %select_n3A_364 = arith.select %eq3A_361, %broadcast_in_dim3A_363, %select_n3A_333 : vector<512x16xi1>, vector<512x16xi32>
      %eq3A_365 = vector.broadcast %broadcast_in_dim3A_344 : vector<512x1xf32> to vector<512x528xf32>
      %eq3A_366 = arith.cmpf oeq, %select_n3A_341, %eq3A_365 : vector<512x528xf32>
      %eq3A_367 = vector.broadcast %broadcast_in_dim3A_352 : vector<512x1xi32> to vector<512x528xi32>
      %eq3A_368 = arith.cmpi eq, %concatenate3A_155, %eq3A_367 : vector<512x528xi32>
      %and3A_369 = arith.andi %eq3A_366, %eq3A_368 : vector<512x528xi1>
      %jit3A_370 = arith.constant 0x7F800000 : f32
      %broadcast_in_dim3A_371 = vector.broadcast %jit3A_370 : f32 to vector<512x528xf32>
      %select_n3A_372 = arith.select %and3A_369, %broadcast_in_dim3A_371, %select_n3A_341 : vector<512x528xi1>, vector<512x528xf32>
      %reduce_min3A_373 = arith.constant dense<0x7F800000> : vector<512xf32>
      %reduce_min3A_374 = vector.multi_reduction <minimumf>, %select_n3A_372, %reduce_min3A_373 [1] : vector<512x528xf32> to vector<512xf32>
      %broadcast_in_dim3A_375 = vector.shape_cast %reduce_min3A_374 : vector<512xf32> to vector<512x1xf32>
      %eq3A_376 = vector.broadcast %broadcast_in_dim3A_375 : vector<512x1xf32> to vector<512x528xf32>
      %eq3A_377 = arith.cmpf oeq, %select_n3A_372, %eq3A_376 : vector<512x528xf32>
      %jit3A_378 = arith.constant 1073741824 : i32
      %broadcast_in_dim3A_379 = vector.broadcast %jit3A_378 : i32 to vector<512x528xi32>
      %select_n3A_380 = arith.select %eq3A_377, %concatenate3A_155, %broadcast_in_dim3A_379 : vector<512x528xi1>, vector<512x528xi32>
      %reduce_min3A_381 = arith.constant dense<2147483647> : vector<512xi32>
      %reduce_min3A_382 = vector.multi_reduction <minsi>, %select_n3A_380, %reduce_min3A_381 [1] : vector<512x528xi32> to vector<512xi32>
      %broadcast_in_dim3A_383 = vector.shape_cast %reduce_min3A_382 : vector<512xi32> to vector<512x1xi32>
      %eq3A_384 = arith.constant 7 : i32
      %eq3A_385 = vector.broadcast %eq3A_384 : i32 to vector<512x16xi32>
      %eq3A_386 = arith.cmpi eq, %iota3A_91, %eq3A_385 : vector<512x16xi32>
      %broadcast_in_dim3A_387 = vector.shape_cast %broadcast_in_dim3A_375 : vector<512x1xf32> to vector<512x1xf32>
      %broadcast_in_dim3A_388 = vector.broadcast %broadcast_in_dim3A_387 : vector<512x1xf32> to vector<512x16xf32>
      %select_n3A_389 = arith.select %eq3A_386, %broadcast_in_dim3A_388, %select_n3A_358 : vector<512x16xi1>, vector<512x16xf32>
      %eq3A_390 = arith.constant 7 : i32
      %eq3A_391 = vector.broadcast %eq3A_390 : i32 to vector<512x16xi32>
      %eq3A_392 = arith.cmpi eq, %iota3A_91, %eq3A_391 : vector<512x16xi32>
      %broadcast_in_dim3A_393 = vector.shape_cast %broadcast_in_dim3A_383 : vector<512x1xi32> to vector<512x1xi32>
      %broadcast_in_dim3A_394 = vector.broadcast %broadcast_in_dim3A_393 : vector<512x1xi32> to vector<512x16xi32>
      %select_n3A_395 = arith.select %eq3A_392, %broadcast_in_dim3A_394, %select_n3A_364 : vector<512x16xi1>, vector<512x16xi32>
      %eq3A_396 = vector.broadcast %broadcast_in_dim3A_375 : vector<512x1xf32> to vector<512x528xf32>
      %eq3A_397 = arith.cmpf oeq, %select_n3A_372, %eq3A_396 : vector<512x528xf32>
      %eq3A_398 = vector.broadcast %broadcast_in_dim3A_383 : vector<512x1xi32> to vector<512x528xi32>
      %eq3A_399 = arith.cmpi eq, %concatenate3A_155, %eq3A_398 : vector<512x528xi32>
      %and3A_400 = arith.andi %eq3A_397, %eq3A_399 : vector<512x528xi1>
      %jit3A_401 = arith.constant 0x7F800000 : f32
      %broadcast_in_dim3A_402 = vector.broadcast %jit3A_401 : f32 to vector<512x528xf32>
      %select_n3A_403 = arith.select %and3A_400, %broadcast_in_dim3A_402, %select_n3A_372 : vector<512x528xi1>, vector<512x528xf32>
      %reduce_min3A_404 = arith.constant dense<0x7F800000> : vector<512xf32>
      %reduce_min3A_405 = vector.multi_reduction <minimumf>, %select_n3A_403, %reduce_min3A_404 [1] : vector<512x528xf32> to vector<512xf32>
      %broadcast_in_dim3A_406 = vector.shape_cast %reduce_min3A_405 : vector<512xf32> to vector<512x1xf32>
      %eq3A_407 = vector.broadcast %broadcast_in_dim3A_406 : vector<512x1xf32> to vector<512x528xf32>
      %eq3A_408 = arith.cmpf oeq, %select_n3A_403, %eq3A_407 : vector<512x528xf32>
      %jit3A_409 = arith.constant 1073741824 : i32
      %broadcast_in_dim3A_410 = vector.broadcast %jit3A_409 : i32 to vector<512x528xi32>
      %select_n3A_411 = arith.select %eq3A_408, %concatenate3A_155, %broadcast_in_dim3A_410 : vector<512x528xi1>, vector<512x528xi32>
      %reduce_min3A_412 = arith.constant dense<2147483647> : vector<512xi32>
      %reduce_min3A_413 = vector.multi_reduction <minsi>, %select_n3A_411, %reduce_min3A_412 [1] : vector<512x528xi32> to vector<512xi32>
      %broadcast_in_dim3A_414 = vector.shape_cast %reduce_min3A_413 : vector<512xi32> to vector<512x1xi32>
      %eq3A_415 = arith.constant 8 : i32
      %eq3A_416 = vector.broadcast %eq3A_415 : i32 to vector<512x16xi32>
      %eq3A_417 = arith.cmpi eq, %iota3A_91, %eq3A_416 : vector<512x16xi32>
      %broadcast_in_dim3A_418 = vector.shape_cast %broadcast_in_dim3A_406 : vector<512x1xf32> to vector<512x1xf32>
      %broadcast_in_dim3A_419 = vector.broadcast %broadcast_in_dim3A_418 : vector<512x1xf32> to vector<512x16xf32>
      %select_n3A_420 = arith.select %eq3A_417, %broadcast_in_dim3A_419, %select_n3A_389 : vector<512x16xi1>, vector<512x16xf32>
      %eq3A_421 = arith.constant 8 : i32
      %eq3A_422 = vector.broadcast %eq3A_421 : i32 to vector<512x16xi32>
      %eq3A_423 = arith.cmpi eq, %iota3A_91, %eq3A_422 : vector<512x16xi32>
      %broadcast_in_dim3A_424 = vector.shape_cast %broadcast_in_dim3A_414 : vector<512x1xi32> to vector<512x1xi32>
      %broadcast_in_dim3A_425 = vector.broadcast %broadcast_in_dim3A_424 : vector<512x1xi32> to vector<512x16xi32>
      %select_n3A_426 = arith.select %eq3A_423, %broadcast_in_dim3A_425, %select_n3A_395 : vector<512x16xi1>, vector<512x16xi32>
      %eq3A_427 = vector.broadcast %broadcast_in_dim3A_406 : vector<512x1xf32> to vector<512x528xf32>
      %eq3A_428 = arith.cmpf oeq, %select_n3A_403, %eq3A_427 : vector<512x528xf32>
      %eq3A_429 = vector.broadcast %broadcast_in_dim3A_414 : vector<512x1xi32> to vector<512x528xi32>
      %eq3A_430 = arith.cmpi eq, %concatenate3A_155, %eq3A_429 : vector<512x528xi32>
      %and3A_431 = arith.andi %eq3A_428, %eq3A_430 : vector<512x528xi1>
      %jit3A_432 = arith.constant 0x7F800000 : f32
      %broadcast_in_dim3A_433 = vector.broadcast %jit3A_432 : f32 to vector<512x528xf32>
      %select_n3A_434 = arith.select %and3A_431, %broadcast_in_dim3A_433, %select_n3A_403 : vector<512x528xi1>, vector<512x528xf32>
      %reduce_min3A_435 = arith.constant dense<0x7F800000> : vector<512xf32>
      %reduce_min3A_436 = vector.multi_reduction <minimumf>, %select_n3A_434, %reduce_min3A_435 [1] : vector<512x528xf32> to vector<512xf32>
      %broadcast_in_dim3A_437 = vector.shape_cast %reduce_min3A_436 : vector<512xf32> to vector<512x1xf32>
      %eq3A_438 = vector.broadcast %broadcast_in_dim3A_437 : vector<512x1xf32> to vector<512x528xf32>
      %eq3A_439 = arith.cmpf oeq, %select_n3A_434, %eq3A_438 : vector<512x528xf32>
      %jit3A_440 = arith.constant 1073741824 : i32
      %broadcast_in_dim3A_441 = vector.broadcast %jit3A_440 : i32 to vector<512x528xi32>
      %select_n3A_442 = arith.select %eq3A_439, %concatenate3A_155, %broadcast_in_dim3A_441 : vector<512x528xi1>, vector<512x528xi32>
      %reduce_min3A_443 = arith.constant dense<2147483647> : vector<512xi32>
      %reduce_min3A_444 = vector.multi_reduction <minsi>, %select_n3A_442, %reduce_min3A_443 [1] : vector<512x528xi32> to vector<512xi32>
      %broadcast_in_dim3A_445 = vector.shape_cast %reduce_min3A_444 : vector<512xi32> to vector<512x1xi32>
      %eq3A_446 = arith.constant 9 : i32
      %eq3A_447 = vector.broadcast %eq3A_446 : i32 to vector<512x16xi32>
      %eq3A_448 = arith.cmpi eq, %iota3A_91, %eq3A_447 : vector<512x16xi32>
      %broadcast_in_dim3A_449 = vector.shape_cast %broadcast_in_dim3A_437 : vector<512x1xf32> to vector<512x1xf32>
      %broadcast_in_dim3A_450 = vector.broadcast %broadcast_in_dim3A_449 : vector<512x1xf32> to vector<512x16xf32>
      %select_n3A_451 = arith.select %eq3A_448, %broadcast_in_dim3A_450, %select_n3A_420 : vector<512x16xi1>, vector<512x16xf32>
      %eq3A_452 = arith.constant 9 : i32
      %eq3A_453 = vector.broadcast %eq3A_452 : i32 to vector<512x16xi32>
      %eq3A_454 = arith.cmpi eq, %iota3A_91, %eq3A_453 : vector<512x16xi32>
      %broadcast_in_dim3A_455 = vector.shape_cast %broadcast_in_dim3A_445 : vector<512x1xi32> to vector<512x1xi32>
      %broadcast_in_dim3A_456 = vector.broadcast %broadcast_in_dim3A_455 : vector<512x1xi32> to vector<512x16xi32>
      %select_n3A_457 = arith.select %eq3A_454, %broadcast_in_dim3A_456, %select_n3A_426 : vector<512x16xi1>, vector<512x16xi32>
      %eq3A_458 = vector.broadcast %broadcast_in_dim3A_437 : vector<512x1xf32> to vector<512x528xf32>
      %eq3A_459 = arith.cmpf oeq, %select_n3A_434, %eq3A_458 : vector<512x528xf32>
      %eq3A_460 = vector.broadcast %broadcast_in_dim3A_445 : vector<512x1xi32> to vector<512x528xi32>
      %eq3A_461 = arith.cmpi eq, %concatenate3A_155, %eq3A_460 : vector<512x528xi32>
      %and3A_462 = arith.andi %eq3A_459, %eq3A_461 : vector<512x528xi1>
      %jit3A_463 = arith.constant 0x7F800000 : f32
      %broadcast_in_dim3A_464 = vector.broadcast %jit3A_463 : f32 to vector<512x528xf32>
      %select_n3A_465 = arith.select %and3A_462, %broadcast_in_dim3A_464, %select_n3A_434 : vector<512x528xi1>, vector<512x528xf32>
      %reduce_min3A_466 = arith.constant dense<0x7F800000> : vector<512xf32>
      %reduce_min3A_467 = vector.multi_reduction <minimumf>, %select_n3A_465, %reduce_min3A_466 [1] : vector<512x528xf32> to vector<512xf32>
      %broadcast_in_dim3A_468 = vector.shape_cast %reduce_min3A_467 : vector<512xf32> to vector<512x1xf32>
      %eq3A_469 = vector.broadcast %broadcast_in_dim3A_468 : vector<512x1xf32> to vector<512x528xf32>
      %eq3A_470 = arith.cmpf oeq, %select_n3A_465, %eq3A_469 : vector<512x528xf32>
      %jit3A_471 = arith.constant 1073741824 : i32
      %broadcast_in_dim3A_472 = vector.broadcast %jit3A_471 : i32 to vector<512x528xi32>
      %select_n3A_473 = arith.select %eq3A_470, %concatenate3A_155, %broadcast_in_dim3A_472 : vector<512x528xi1>, vector<512x528xi32>
      %reduce_min3A_474 = arith.constant dense<2147483647> : vector<512xi32>
      %reduce_min3A_475 = vector.multi_reduction <minsi>, %select_n3A_473, %reduce_min3A_474 [1] : vector<512x528xi32> to vector<512xi32>
      %broadcast_in_dim3A_476 = vector.shape_cast %reduce_min3A_475 : vector<512xi32> to vector<512x1xi32>
      %eq3A_477 = arith.constant 10 : i32
      %eq3A_478 = vector.broadcast %eq3A_477 : i32 to vector<512x16xi32>
      %eq3A_479 = arith.cmpi eq, %iota3A_91, %eq3A_478 : vector<512x16xi32>
      %broadcast_in_dim3A_480 = vector.shape_cast %broadcast_in_dim3A_468 : vector<512x1xf32> to vector<512x1xf32>
      %broadcast_in_dim3A_481 = vector.broadcast %broadcast_in_dim3A_480 : vector<512x1xf32> to vector<512x16xf32>
      %select_n3A_482 = arith.select %eq3A_479, %broadcast_in_dim3A_481, %select_n3A_451 : vector<512x16xi1>, vector<512x16xf32>
      %eq3A_483 = arith.constant 10 : i32
      %eq3A_484 = vector.broadcast %eq3A_483 : i32 to vector<512x16xi32>
      %eq3A_485 = arith.cmpi eq, %iota3A_91, %eq3A_484 : vector<512x16xi32>
      %broadcast_in_dim3A_486 = vector.shape_cast %broadcast_in_dim3A_476 : vector<512x1xi32> to vector<512x1xi32>
      %broadcast_in_dim3A_487 = vector.broadcast %broadcast_in_dim3A_486 : vector<512x1xi32> to vector<512x16xi32>
      %select_n3A_488 = arith.select %eq3A_485, %broadcast_in_dim3A_487, %select_n3A_457 : vector<512x16xi1>, vector<512x16xi32>
      %eq3A_489 = vector.broadcast %broadcast_in_dim3A_468 : vector<512x1xf32> to vector<512x528xf32>
      %eq3A_490 = arith.cmpf oeq, %select_n3A_465, %eq3A_489 : vector<512x528xf32>
      %eq3A_491 = vector.broadcast %broadcast_in_dim3A_476 : vector<512x1xi32> to vector<512x528xi32>
      %eq3A_492 = arith.cmpi eq, %concatenate3A_155, %eq3A_491 : vector<512x528xi32>
      %and3A_493 = arith.andi %eq3A_490, %eq3A_492 : vector<512x528xi1>
      %jit3A_494 = arith.constant 0x7F800000 : f32
      %broadcast_in_dim3A_495 = vector.broadcast %jit3A_494 : f32 to vector<512x528xf32>
      %select_n3A_496 = arith.select %and3A_493, %broadcast_in_dim3A_495, %select_n3A_465 : vector<512x528xi1>, vector<512x528xf32>
      %reduce_min3A_497 = arith.constant dense<0x7F800000> : vector<512xf32>
      %reduce_min3A_498 = vector.multi_reduction <minimumf>, %select_n3A_496, %reduce_min3A_497 [1] : vector<512x528xf32> to vector<512xf32>
      %broadcast_in_dim3A_499 = vector.shape_cast %reduce_min3A_498 : vector<512xf32> to vector<512x1xf32>
      %eq3A_500 = vector.broadcast %broadcast_in_dim3A_499 : vector<512x1xf32> to vector<512x528xf32>
      %eq3A_501 = arith.cmpf oeq, %select_n3A_496, %eq3A_500 : vector<512x528xf32>
      %jit3A_502 = arith.constant 1073741824 : i32
      %broadcast_in_dim3A_503 = vector.broadcast %jit3A_502 : i32 to vector<512x528xi32>
      %select_n3A_504 = arith.select %eq3A_501, %concatenate3A_155, %broadcast_in_dim3A_503 : vector<512x528xi1>, vector<512x528xi32>
      %reduce_min3A_505 = arith.constant dense<2147483647> : vector<512xi32>
      %reduce_min3A_506 = vector.multi_reduction <minsi>, %select_n3A_504, %reduce_min3A_505 [1] : vector<512x528xi32> to vector<512xi32>
      %broadcast_in_dim3A_507 = vector.shape_cast %reduce_min3A_506 : vector<512xi32> to vector<512x1xi32>
      %eq3A_508 = arith.constant 11 : i32
      %eq3A_509 = vector.broadcast %eq3A_508 : i32 to vector<512x16xi32>
      %eq3A_510 = arith.cmpi eq, %iota3A_91, %eq3A_509 : vector<512x16xi32>
      %broadcast_in_dim3A_511 = vector.shape_cast %broadcast_in_dim3A_499 : vector<512x1xf32> to vector<512x1xf32>
      %broadcast_in_dim3A_512 = vector.broadcast %broadcast_in_dim3A_511 : vector<512x1xf32> to vector<512x16xf32>
      %select_n3A_513 = arith.select %eq3A_510, %broadcast_in_dim3A_512, %select_n3A_482 : vector<512x16xi1>, vector<512x16xf32>
      %eq3A_514 = arith.constant 11 : i32
      %eq3A_515 = vector.broadcast %eq3A_514 : i32 to vector<512x16xi32>
      %eq3A_516 = arith.cmpi eq, %iota3A_91, %eq3A_515 : vector<512x16xi32>
      %broadcast_in_dim3A_517 = vector.shape_cast %broadcast_in_dim3A_507 : vector<512x1xi32> to vector<512x1xi32>
      %broadcast_in_dim3A_518 = vector.broadcast %broadcast_in_dim3A_517 : vector<512x1xi32> to vector<512x16xi32>
      %select_n3A_519 = arith.select %eq3A_516, %broadcast_in_dim3A_518, %select_n3A_488 : vector<512x16xi1>, vector<512x16xi32>
      %eq3A_520 = vector.broadcast %broadcast_in_dim3A_499 : vector<512x1xf32> to vector<512x528xf32>
      %eq3A_521 = arith.cmpf oeq, %select_n3A_496, %eq3A_520 : vector<512x528xf32>
      %eq3A_522 = vector.broadcast %broadcast_in_dim3A_507 : vector<512x1xi32> to vector<512x528xi32>
      %eq3A_523 = arith.cmpi eq, %concatenate3A_155, %eq3A_522 : vector<512x528xi32>
      %and3A_524 = arith.andi %eq3A_521, %eq3A_523 : vector<512x528xi1>
      %jit3A_525 = arith.constant 0x7F800000 : f32
      %broadcast_in_dim3A_526 = vector.broadcast %jit3A_525 : f32 to vector<512x528xf32>
      %select_n3A_527 = arith.select %and3A_524, %broadcast_in_dim3A_526, %select_n3A_496 : vector<512x528xi1>, vector<512x528xf32>
      %reduce_min3A_528 = arith.constant dense<0x7F800000> : vector<512xf32>
      %reduce_min3A_529 = vector.multi_reduction <minimumf>, %select_n3A_527, %reduce_min3A_528 [1] : vector<512x528xf32> to vector<512xf32>
      %broadcast_in_dim3A_530 = vector.shape_cast %reduce_min3A_529 : vector<512xf32> to vector<512x1xf32>
      %eq3A_531 = vector.broadcast %broadcast_in_dim3A_530 : vector<512x1xf32> to vector<512x528xf32>
      %eq3A_532 = arith.cmpf oeq, %select_n3A_527, %eq3A_531 : vector<512x528xf32>
      %jit3A_533 = arith.constant 1073741824 : i32
      %broadcast_in_dim3A_534 = vector.broadcast %jit3A_533 : i32 to vector<512x528xi32>
      %select_n3A_535 = arith.select %eq3A_532, %concatenate3A_155, %broadcast_in_dim3A_534 : vector<512x528xi1>, vector<512x528xi32>
      %reduce_min3A_536 = arith.constant dense<2147483647> : vector<512xi32>
      %reduce_min3A_537 = vector.multi_reduction <minsi>, %select_n3A_535, %reduce_min3A_536 [1] : vector<512x528xi32> to vector<512xi32>
      %broadcast_in_dim3A_538 = vector.shape_cast %reduce_min3A_537 : vector<512xi32> to vector<512x1xi32>
      %eq3A_539 = arith.constant 12 : i32
      %eq3A_540 = vector.broadcast %eq3A_539 : i32 to vector<512x16xi32>
      %eq3A_541 = arith.cmpi eq, %iota3A_91, %eq3A_540 : vector<512x16xi32>
      %broadcast_in_dim3A_542 = vector.shape_cast %broadcast_in_dim3A_530 : vector<512x1xf32> to vector<512x1xf32>
      %broadcast_in_dim3A_543 = vector.broadcast %broadcast_in_dim3A_542 : vector<512x1xf32> to vector<512x16xf32>
      %select_n3A_544 = arith.select %eq3A_541, %broadcast_in_dim3A_543, %select_n3A_513 : vector<512x16xi1>, vector<512x16xf32>
      %eq3A_545 = arith.constant 12 : i32
      %eq3A_546 = vector.broadcast %eq3A_545 : i32 to vector<512x16xi32>
      %eq3A_547 = arith.cmpi eq, %iota3A_91, %eq3A_546 : vector<512x16xi32>
      %broadcast_in_dim3A_548 = vector.shape_cast %broadcast_in_dim3A_538 : vector<512x1xi32> to vector<512x1xi32>
      %broadcast_in_dim3A_549 = vector.broadcast %broadcast_in_dim3A_548 : vector<512x1xi32> to vector<512x16xi32>
      %select_n3A_550 = arith.select %eq3A_547, %broadcast_in_dim3A_549, %select_n3A_519 : vector<512x16xi1>, vector<512x16xi32>
      %eq3A_551 = vector.broadcast %broadcast_in_dim3A_530 : vector<512x1xf32> to vector<512x528xf32>
      %eq3A_552 = arith.cmpf oeq, %select_n3A_527, %eq3A_551 : vector<512x528xf32>
      %eq3A_553 = vector.broadcast %broadcast_in_dim3A_538 : vector<512x1xi32> to vector<512x528xi32>
      %eq3A_554 = arith.cmpi eq, %concatenate3A_155, %eq3A_553 : vector<512x528xi32>
      %and3A_555 = arith.andi %eq3A_552, %eq3A_554 : vector<512x528xi1>
      %jit3A_556 = arith.constant 0x7F800000 : f32
      %broadcast_in_dim3A_557 = vector.broadcast %jit3A_556 : f32 to vector<512x528xf32>
      %select_n3A_558 = arith.select %and3A_555, %broadcast_in_dim3A_557, %select_n3A_527 : vector<512x528xi1>, vector<512x528xf32>
      %reduce_min3A_559 = arith.constant dense<0x7F800000> : vector<512xf32>
      %reduce_min3A_560 = vector.multi_reduction <minimumf>, %select_n3A_558, %reduce_min3A_559 [1] : vector<512x528xf32> to vector<512xf32>
      %broadcast_in_dim3A_561 = vector.shape_cast %reduce_min3A_560 : vector<512xf32> to vector<512x1xf32>
      %eq3A_562 = vector.broadcast %broadcast_in_dim3A_561 : vector<512x1xf32> to vector<512x528xf32>
      %eq3A_563 = arith.cmpf oeq, %select_n3A_558, %eq3A_562 : vector<512x528xf32>
      %jit3A_564 = arith.constant 1073741824 : i32
      %broadcast_in_dim3A_565 = vector.broadcast %jit3A_564 : i32 to vector<512x528xi32>
      %select_n3A_566 = arith.select %eq3A_563, %concatenate3A_155, %broadcast_in_dim3A_565 : vector<512x528xi1>, vector<512x528xi32>
      %reduce_min3A_567 = arith.constant dense<2147483647> : vector<512xi32>
      %reduce_min3A_568 = vector.multi_reduction <minsi>, %select_n3A_566, %reduce_min3A_567 [1] : vector<512x528xi32> to vector<512xi32>
      %broadcast_in_dim3A_569 = vector.shape_cast %reduce_min3A_568 : vector<512xi32> to vector<512x1xi32>
      %eq3A_570 = arith.constant 13 : i32
      %eq3A_571 = vector.broadcast %eq3A_570 : i32 to vector<512x16xi32>
      %eq3A_572 = arith.cmpi eq, %iota3A_91, %eq3A_571 : vector<512x16xi32>
      %broadcast_in_dim3A_573 = vector.shape_cast %broadcast_in_dim3A_561 : vector<512x1xf32> to vector<512x1xf32>
      %broadcast_in_dim3A_574 = vector.broadcast %broadcast_in_dim3A_573 : vector<512x1xf32> to vector<512x16xf32>
      %select_n3A_575 = arith.select %eq3A_572, %broadcast_in_dim3A_574, %select_n3A_544 : vector<512x16xi1>, vector<512x16xf32>
      %eq3A_576 = arith.constant 13 : i32
      %eq3A_577 = vector.broadcast %eq3A_576 : i32 to vector<512x16xi32>
      %eq3A_578 = arith.cmpi eq, %iota3A_91, %eq3A_577 : vector<512x16xi32>
      %broadcast_in_dim3A_579 = vector.shape_cast %broadcast_in_dim3A_569 : vector<512x1xi32> to vector<512x1xi32>
      %broadcast_in_dim3A_580 = vector.broadcast %broadcast_in_dim3A_579 : vector<512x1xi32> to vector<512x16xi32>
      %select_n3A_581 = arith.select %eq3A_578, %broadcast_in_dim3A_580, %select_n3A_550 : vector<512x16xi1>, vector<512x16xi32>
      %eq3A_582 = vector.broadcast %broadcast_in_dim3A_561 : vector<512x1xf32> to vector<512x528xf32>
      %eq3A_583 = arith.cmpf oeq, %select_n3A_558, %eq3A_582 : vector<512x528xf32>
      %eq3A_584 = vector.broadcast %broadcast_in_dim3A_569 : vector<512x1xi32> to vector<512x528xi32>
      %eq3A_585 = arith.cmpi eq, %concatenate3A_155, %eq3A_584 : vector<512x528xi32>
      %and3A_586 = arith.andi %eq3A_583, %eq3A_585 : vector<512x528xi1>
      %jit3A_587 = arith.constant 0x7F800000 : f32
      %broadcast_in_dim3A_588 = vector.broadcast %jit3A_587 : f32 to vector<512x528xf32>
      %select_n3A_589 = arith.select %and3A_586, %broadcast_in_dim3A_588, %select_n3A_558 : vector<512x528xi1>, vector<512x528xf32>
      %reduce_min3A_590 = arith.constant dense<0x7F800000> : vector<512xf32>
      %reduce_min3A_591 = vector.multi_reduction <minimumf>, %select_n3A_589, %reduce_min3A_590 [1] : vector<512x528xf32> to vector<512xf32>
      %broadcast_in_dim3A_592 = vector.shape_cast %reduce_min3A_591 : vector<512xf32> to vector<512x1xf32>
      %eq3A_593 = vector.broadcast %broadcast_in_dim3A_592 : vector<512x1xf32> to vector<512x528xf32>
      %eq3A_594 = arith.cmpf oeq, %select_n3A_589, %eq3A_593 : vector<512x528xf32>
      %jit3A_595 = arith.constant 1073741824 : i32
      %broadcast_in_dim3A_596 = vector.broadcast %jit3A_595 : i32 to vector<512x528xi32>
      %select_n3A_597 = arith.select %eq3A_594, %concatenate3A_155, %broadcast_in_dim3A_596 : vector<512x528xi1>, vector<512x528xi32>
      %reduce_min3A_598 = arith.constant dense<2147483647> : vector<512xi32>
      %reduce_min3A_599 = vector.multi_reduction <minsi>, %select_n3A_597, %reduce_min3A_598 [1] : vector<512x528xi32> to vector<512xi32>
      %broadcast_in_dim3A_600 = vector.shape_cast %reduce_min3A_599 : vector<512xi32> to vector<512x1xi32>
      %eq3A_601 = arith.constant 14 : i32
      %eq3A_602 = vector.broadcast %eq3A_601 : i32 to vector<512x16xi32>
      %eq3A_603 = arith.cmpi eq, %iota3A_91, %eq3A_602 : vector<512x16xi32>
      %broadcast_in_dim3A_604 = vector.shape_cast %broadcast_in_dim3A_592 : vector<512x1xf32> to vector<512x1xf32>
      %broadcast_in_dim3A_605 = vector.broadcast %broadcast_in_dim3A_604 : vector<512x1xf32> to vector<512x16xf32>
      %select_n3A_606 = arith.select %eq3A_603, %broadcast_in_dim3A_605, %select_n3A_575 : vector<512x16xi1>, vector<512x16xf32>
      %eq3A_607 = arith.constant 14 : i32
      %eq3A_608 = vector.broadcast %eq3A_607 : i32 to vector<512x16xi32>
      %eq3A_609 = arith.cmpi eq, %iota3A_91, %eq3A_608 : vector<512x16xi32>
      %broadcast_in_dim3A_610 = vector.shape_cast %broadcast_in_dim3A_600 : vector<512x1xi32> to vector<512x1xi32>
      %broadcast_in_dim3A_611 = vector.broadcast %broadcast_in_dim3A_610 : vector<512x1xi32> to vector<512x16xi32>
      %select_n3A_612 = arith.select %eq3A_609, %broadcast_in_dim3A_611, %select_n3A_581 : vector<512x16xi1>, vector<512x16xi32>
      %eq3A_613 = vector.broadcast %broadcast_in_dim3A_592 : vector<512x1xf32> to vector<512x528xf32>
      %eq3A_614 = arith.cmpf oeq, %select_n3A_589, %eq3A_613 : vector<512x528xf32>
      %eq3A_615 = vector.broadcast %broadcast_in_dim3A_600 : vector<512x1xi32> to vector<512x528xi32>
      %eq3A_616 = arith.cmpi eq, %concatenate3A_155, %eq3A_615 : vector<512x528xi32>
      %and3A_617 = arith.andi %eq3A_614, %eq3A_616 : vector<512x528xi1>
      %jit3A_618 = arith.constant 0x7F800000 : f32
      %broadcast_in_dim3A_619 = vector.broadcast %jit3A_618 : f32 to vector<512x528xf32>
      %select_n3A_620 = arith.select %and3A_617, %broadcast_in_dim3A_619, %select_n3A_589 : vector<512x528xi1>, vector<512x528xf32>
      %reduce_min3A_621 = arith.constant dense<0x7F800000> : vector<512xf32>
      %reduce_min3A_622 = vector.multi_reduction <minimumf>, %select_n3A_620, %reduce_min3A_621 [1] : vector<512x528xf32> to vector<512xf32>
      %broadcast_in_dim3A_623 = vector.shape_cast %reduce_min3A_622 : vector<512xf32> to vector<512x1xf32>
      %eq3A_624 = vector.broadcast %broadcast_in_dim3A_623 : vector<512x1xf32> to vector<512x528xf32>
      %eq3A_625 = arith.cmpf oeq, %select_n3A_620, %eq3A_624 : vector<512x528xf32>
      %jit3A_626 = arith.constant 1073741824 : i32
      %broadcast_in_dim3A_627 = vector.broadcast %jit3A_626 : i32 to vector<512x528xi32>
      %select_n3A_628 = arith.select %eq3A_625, %concatenate3A_155, %broadcast_in_dim3A_627 : vector<512x528xi1>, vector<512x528xi32>
      %reduce_min3A_629 = arith.constant dense<2147483647> : vector<512xi32>
      %reduce_min3A_630 = vector.multi_reduction <minsi>, %select_n3A_628, %reduce_min3A_629 [1] : vector<512x528xi32> to vector<512xi32>
      %broadcast_in_dim3A_631 = vector.shape_cast %reduce_min3A_630 : vector<512xi32> to vector<512x1xi32>
      %eq3A_632 = arith.constant 15 : i32
      %eq3A_633 = vector.broadcast %eq3A_632 : i32 to vector<512x16xi32>
      %eq3A_634 = arith.cmpi eq, %iota3A_91, %eq3A_633 : vector<512x16xi32>
      %broadcast_in_dim3A_635 = vector.shape_cast %broadcast_in_dim3A_623 : vector<512x1xf32> to vector<512x1xf32>
      %broadcast_in_dim3A_636 = vector.broadcast %broadcast_in_dim3A_635 : vector<512x1xf32> to vector<512x16xf32>
      %select_n3A_637 = arith.select %eq3A_634, %broadcast_in_dim3A_636, %select_n3A_606 : vector<512x16xi1>, vector<512x16xf32>
      %eq3A_638 = arith.constant 15 : i32
      %eq3A_639 = vector.broadcast %eq3A_638 : i32 to vector<512x16xi32>
      %eq3A_640 = arith.cmpi eq, %iota3A_91, %eq3A_639 : vector<512x16xi32>
      %broadcast_in_dim3A_641 = vector.shape_cast %broadcast_in_dim3A_631 : vector<512x1xi32> to vector<512x1xi32>
      %broadcast_in_dim3A_642 = vector.broadcast %broadcast_in_dim3A_641 : vector<512x1xi32> to vector<512x16xi32>
      %select_n3A_643 = arith.select %eq3A_640, %broadcast_in_dim3A_642, %select_n3A_612 : vector<512x16xi1>, vector<512x16xi32>
      %eq3A_644 = vector.broadcast %broadcast_in_dim3A_623 : vector<512x1xf32> to vector<512x528xf32>
      %eq3A_645 = arith.cmpf oeq, %select_n3A_620, %eq3A_644 : vector<512x528xf32>
      %eq3A_646 = vector.broadcast %broadcast_in_dim3A_631 : vector<512x1xi32> to vector<512x528xi32>
      %eq3A_647 = arith.cmpi eq, %concatenate3A_155, %eq3A_646 : vector<512x528xi32>
      %and3A_648 = arith.andi %eq3A_645, %eq3A_647 : vector<512x528xi1>
      %jit3A_649 = arith.constant 0x7F800000 : f32
      %broadcast_in_dim3A_650 = vector.broadcast %jit3A_649 : f32 to vector<512x528xf32>
      %select_n3A_651 = arith.select %and3A_648, %broadcast_in_dim3A_650, %select_n3A_620 : vector<512x528xi1>, vector<512x528xf32>
      scf.yield %select_n3A_637, %select_n3A_643 : vector<512x16xf32>, vector<512x16xi32>
    }
    %swap3A = arith.constant 0 : index
    %swap3A_105 = arith.constant 0 : index
    %swap3A_106 = vector.load %arg5[%swap3A, %swap3A_105] : memref<512x16xi32, #tpu.memory_space<vmem>>, vector<512x16xi32>
    tpu.vector_store %arg5[%swap3A, %swap3A_105], %while3A_104#1 {strides = array<i32>} : memref<512x16xi32, #tpu.memory_space<vmem>>, vector<512x16xi32>,
    return
  }
  func.func @transform_0(%arg0: i32) -> (i32, i32) {
    %c0_i32 = arith.constant 0 : i32
    %c0_i32_0 = arith.constant 0 : i32
    return %arg0, %c0_i32 : i32, i32
  }
  func.func @transform_1(%arg0: i32) -> (i32, i32) {
    %c0_i32 = arith.constant 0 : i32
    %c0_i32_0 = arith.constant 0 : i32
    %c0_i32_1 = arith.constant 0 : i32
    return %c0_i32, %c0_i32_0 : i32, i32
  }
  func.func @transform_2(%arg0: i32) -> (i32, i32) {
    %c0_i32 = arith.constant 0 : i32
    %c0_i32_0 = arith.constant 0 : i32
    return %arg0, %c0_i32 : i32, i32
  }
  func.func @transform_3(%arg0: i32) -> (i32, i32) {
    %c0_i32 = arith.constant 0 : i32
    %c0_i32_0 = arith.constant 0 : i32
    %c0_i32_1 = arith.constant 0 : i32
    return %c0_i32, %c0_i32_0 : i32, i32
  }
  func.func @transform_4(%arg0: i32) -> (i32, i32) {
    %c0_i32 = arith.constant 0 : i32
    %c0_i32_0 = arith.constant 0 : i32
    return %arg0, %c0_i32 : i32, i32
  }
}

module attributes {stable_mosaic.version = 14 : i64} {
  func.func @_conv1_kernel(%arg0: i32, %arg1: memref<4096x16xf32, #tpu.memory_space<vmem>>, %arg2: memref<256x16xf32, #tpu.memory_space<vmem>>, %arg3: memref<4x64xf32, #tpu.memory_space<vmem>>, %arg4: memref<1x64xf32, #tpu.memory_space<vmem>>, %arg5: memref<64x64xf32, #tpu.memory_space<vmem>>, %arg6: memref<1x64xf32, #tpu.memory_space<vmem>>, %arg7: memref<4096x4xf32, #tpu.memory_space<vmem>>, %arg8: memref<256x64xf32, #tpu.memory_space<vmem>>) attributes {dimension_semantics = [#tpu.dimension_semantics<arbitrary>], iteration_bounds = array<i64: 32>, scalar_prefetch = 0 : i64, scratch_operands = 0 : i64, tpu.core_type = #tpu.core_type<tc>, window_params = [{transform_indices = @transform_0, window_bounds = array<i64: 4096, 16>}, {transform_indices = @transform_1, window_bounds = array<i64: 256, 16>}, {pipeline_mode = #tpu.pipeline_mode<synchronous>, transform_indices = @transform_2, window_bounds = array<i64: 4, 64>}, {pipeline_mode = #tpu.pipeline_mode<synchronous>, transform_indices = @transform_3, window_bounds = array<i64: 1, 64>}, {pipeline_mode = #tpu.pipeline_mode<synchronous>, transform_indices = @transform_4, window_bounds = array<i64: 64, 64>}, {pipeline_mode = #tpu.pipeline_mode<synchronous>, transform_indices = @transform_5, window_bounds = array<i64: 1, 64>}, {transform_indices = @transform_6, window_bounds = array<i64: 4096, 4>}, {transform_indices = @transform_7, window_bounds = array<i64: 256, 64>}]} {
    %get3A = arith.constant 0 : index
    %get3A_0 = arith.constant 0 : index
    %get3A_1 = vector.load %arg1[%get3A, %get3A_0] : memref<4096x16xf32, #tpu.memory_space<vmem>>, vector<4096x16xf32>
    %transpose3A = tpu.transpose %get3A_1, [1, 0] : vector<4096x16xf32> -> vector<16x4096xf32>
    %get3A_2 = arith.constant 0 : index
    %get3A_3 = arith.constant 0 : index
    %get3A_4 = vector.load %arg2[%get3A_2, %get3A_3] : memref<256x16xf32, #tpu.memory_space<vmem>>, vector<256x16xf32>
    %transpose3A_5 = tpu.transpose %get3A_4, [1, 0] : vector<256x16xf32> -> vector<16x256xf32>
    %broadcast_in_dim3A = vector.shape_cast %transpose3A_5 : vector<16x256xf32> to vector<16x256x1xf32>
    %broadcast_in_dim3A_6 = vector.shape_cast %broadcast_in_dim3A : vector<16x256x1xf32> to vector<16x256x1xf32>
    %broadcast_in_dim3A_7 = vector.broadcast %broadcast_in_dim3A_6 : vector<16x256x1xf32> to vector<16x256x16xf32>
    %reshape3A = vector.shape_cast %broadcast_in_dim3A_7 : vector<16x256x16xf32> to vector<16x4096xf32>
    %slice3A = vector.extract_strided_slice %transpose3A {offsets = [0, 0], sizes = [1, 4096], strides = [1, 1]} : vector<16x4096xf32> to vector<1x4096xf32>
    %slice3A_8 = vector.extract_strided_slice %reshape3A {offsets = [0, 0], sizes = [1, 4096], strides = [1, 1]} : vector<16x4096xf32> to vector<1x4096xf32>
    %sub3A = arith.subf %slice3A, %slice3A_8 : vector<1x4096xf32>
    %slice3A_9 = vector.extract_strided_slice %transpose3A {offsets = [1, 0], sizes = [1, 4096], strides = [1, 1]} : vector<16x4096xf32> to vector<1x4096xf32>
    %slice3A_10 = vector.extract_strided_slice %reshape3A {offsets = [1, 0], sizes = [1, 4096], strides = [1, 1]} : vector<16x4096xf32> to vector<1x4096xf32>
    %sub3A_11 = arith.subf %slice3A_9, %slice3A_10 : vector<1x4096xf32>
    %slice3A_12 = vector.extract_strided_slice %transpose3A {offsets = [2, 0], sizes = [1, 4096], strides = [1, 1]} : vector<16x4096xf32> to vector<1x4096xf32>
    %slice3A_13 = vector.extract_strided_slice %reshape3A {offsets = [2, 0], sizes = [1, 4096], strides = [1, 1]} : vector<16x4096xf32> to vector<1x4096xf32>
    %sub3A_14 = arith.subf %slice3A_12, %slice3A_13 : vector<1x4096xf32>
    %slice3A_15 = vector.extract_strided_slice %reshape3A {offsets = [3, 0], sizes = [1, 4096], strides = [1, 1]} : vector<16x4096xf32> to vector<1x4096xf32>
    %slice3A_16 = vector.extract_strided_slice %reshape3A {offsets = [4, 0], sizes = [1, 4096], strides = [1, 1]} : vector<16x4096xf32> to vector<1x4096xf32>
    %slice3A_17 = vector.extract_strided_slice %reshape3A {offsets = [5, 0], sizes = [1, 4096], strides = [1, 1]} : vector<16x4096xf32> to vector<1x4096xf32>
    %slice3A_18 = vector.extract_strided_slice %transpose3A {offsets = [3, 0], sizes = [1, 4096], strides = [1, 1]} : vector<16x4096xf32> to vector<1x4096xf32>
    %slice3A_19 = vector.extract_strided_slice %transpose3A {offsets = [4, 0], sizes = [1, 4096], strides = [1, 1]} : vector<16x4096xf32> to vector<1x4096xf32>
    %slice3A_20 = vector.extract_strided_slice %transpose3A {offsets = [5, 0], sizes = [1, 4096], strides = [1, 1]} : vector<16x4096xf32> to vector<1x4096xf32>
    %mul3A = arith.mulf %sub3A, %sub3A : vector<1x4096xf32>
    %mul3A_21 = arith.mulf %sub3A_11, %sub3A_11 : vector<1x4096xf32>
    %add3A = arith.addf %mul3A, %mul3A_21 : vector<1x4096xf32>
    %mul3A_22 = arith.mulf %sub3A_14, %sub3A_14 : vector<1x4096xf32>
    %add3A_23 = arith.addf %add3A, %mul3A_22 : vector<1x4096xf32>
    %lt3A = arith.constant 9.99999968E-21 : f32
    %lt3A_24 = vector.broadcast %lt3A : f32 to vector<1x4096xf32>
    %lt3A_25 = arith.cmpf olt, %add3A_23, %lt3A_24 : vector<1x4096xf32>
    %jit3A = arith.constant 1.000000e+00 : f32
    %broadcast_in_dim3A_26 = vector.broadcast %jit3A : f32 to vector<1x4096xf32>
    %select_n3A = arith.select %lt3A_25, %broadcast_in_dim3A_26, %add3A_23 : vector<1x4096xi1>, vector<1x4096xf32>
    %sqrt3A = math.sqrt %select_n3A : vector<1x4096xf32>
    %jit3A_27 = arith.constant 0.000000e+00 : f32
    %broadcast_in_dim3A_28 = vector.broadcast %jit3A_27 : f32 to vector<1x4096xf32>
    %select_n3A_29 = arith.select %lt3A_25, %broadcast_in_dim3A_28, %sqrt3A : vector<1x4096xi1>, vector<1x4096xf32>
    %mul3A_30 = arith.mulf %slice3A_16, %sub3A_14 : vector<1x4096xf32>
    %mul3A_31 = arith.mulf %slice3A_17, %sub3A_11 : vector<1x4096xf32>
    %sub3A_32 = arith.subf %mul3A_30, %mul3A_31 : vector<1x4096xf32>
    %mul3A_33 = arith.mulf %slice3A_17, %sub3A : vector<1x4096xf32>
    %mul3A_34 = arith.mulf %slice3A_15, %sub3A_14 : vector<1x4096xf32>
    %sub3A_35 = arith.subf %mul3A_33, %mul3A_34 : vector<1x4096xf32>
    %mul3A_36 = arith.mulf %slice3A_15, %sub3A_11 : vector<1x4096xf32>
    %mul3A_37 = arith.mulf %slice3A_16, %sub3A : vector<1x4096xf32>
    %sub3A_38 = arith.subf %mul3A_36, %mul3A_37 : vector<1x4096xf32>
    %mul3A_39 = arith.mulf %sub3A_32, %sub3A_32 : vector<1x4096xf32>
    %mul3A_40 = arith.mulf %sub3A_35, %sub3A_35 : vector<1x4096xf32>
    %add3A_41 = arith.addf %mul3A_39, %mul3A_40 : vector<1x4096xf32>
    %mul3A_42 = arith.mulf %sub3A_38, %sub3A_38 : vector<1x4096xf32>
    %add3A_43 = arith.addf %add3A_41, %mul3A_42 : vector<1x4096xf32>
    %lt3A_44 = arith.constant 9.99999968E-21 : f32
    %lt3A_45 = vector.broadcast %lt3A_44 : f32 to vector<1x4096xf32>
    %lt3A_46 = arith.cmpf olt, %add3A_43, %lt3A_45 : vector<1x4096xf32>
    %jit3A_47 = arith.constant 1.000000e+00 : f32
    %broadcast_in_dim3A_48 = vector.broadcast %jit3A_47 : f32 to vector<1x4096xf32>
    %select_n3A_49 = arith.select %lt3A_46, %broadcast_in_dim3A_48, %add3A_43 : vector<1x4096xi1>, vector<1x4096xf32>
    %sqrt3A_50 = math.sqrt %select_n3A_49 : vector<1x4096xf32>
    %jit3A_51 = arith.constant 0.000000e+00 : f32
    %broadcast_in_dim3A_52 = vector.broadcast %jit3A_51 : f32 to vector<1x4096xf32>
    %select_n3A_53 = arith.select %lt3A_46, %broadcast_in_dim3A_52, %sqrt3A_50 : vector<1x4096xi1>, vector<1x4096xf32>
    %mul3A_54 = arith.mulf %slice3A_15, %sub3A : vector<1x4096xf32>
    %mul3A_55 = arith.mulf %slice3A_16, %sub3A_11 : vector<1x4096xf32>
    %add3A_56 = arith.addf %mul3A_54, %mul3A_55 : vector<1x4096xf32>
    %mul3A_57 = arith.mulf %slice3A_17, %sub3A_14 : vector<1x4096xf32>
    %add3A_58 = arith.addf %add3A_56, %mul3A_57 : vector<1x4096xf32>
    %eq3A = arith.constant 0.000000e+00 : f32
    %eq3A_59 = vector.broadcast %eq3A : f32 to vector<1x4096xf32>
    %eq3A_60 = arith.cmpf oeq, %select_n3A_53, %eq3A_59 : vector<1x4096xf32>
    %abs3A = math.absf %add3A_58 : vector<1x4096xf32>
    %lt3A_61 = arith.constant 9.99999996E-13 : f32
    %lt3A_62 = vector.broadcast %lt3A_61 : f32 to vector<1x4096xf32>
    %lt3A_63 = arith.cmpf olt, %abs3A, %lt3A_62 : vector<1x4096xf32>
    %and3A = arith.andi %eq3A_60, %lt3A_63 : vector<1x4096xi1>
    %jit3A_64 = arith.constant 1.000000e+00 : f32
    %broadcast_in_dim3A_65 = vector.broadcast %jit3A_64 : f32 to vector<1x4096xf32>
    %select_n3A_66 = arith.select %and3A, %broadcast_in_dim3A_65, %add3A_58 : vector<1x4096xi1>, vector<1x4096xf32>
    %atan23A = math.atan2 %select_n3A_53, %select_n3A_66 : vector<1x4096xf32>
    %mul3A_67 = arith.mulf %slice3A_19, %sub3A_14 : vector<1x4096xf32>
    %mul3A_68 = arith.mulf %slice3A_20, %sub3A_11 : vector<1x4096xf32>
    %sub3A_69 = arith.subf %mul3A_67, %mul3A_68 : vector<1x4096xf32>
    %mul3A_70 = arith.mulf %slice3A_20, %sub3A : vector<1x4096xf32>
    %mul3A_71 = arith.mulf %slice3A_18, %sub3A_14 : vector<1x4096xf32>
    %sub3A_72 = arith.subf %mul3A_70, %mul3A_71 : vector<1x4096xf32>
    %mul3A_73 = arith.mulf %slice3A_18, %sub3A_11 : vector<1x4096xf32>
    %mul3A_74 = arith.mulf %slice3A_19, %sub3A : vector<1x4096xf32>
    %sub3A_75 = arith.subf %mul3A_73, %mul3A_74 : vector<1x4096xf32>
    %mul3A_76 = arith.mulf %sub3A_69, %sub3A_69 : vector<1x4096xf32>
    %mul3A_77 = arith.mulf %sub3A_72, %sub3A_72 : vector<1x4096xf32>
    %add3A_78 = arith.addf %mul3A_76, %mul3A_77 : vector<1x4096xf32>
    %mul3A_79 = arith.mulf %sub3A_75, %sub3A_75 : vector<1x4096xf32>
    %add3A_80 = arith.addf %add3A_78, %mul3A_79 : vector<1x4096xf32>
    %lt3A_81 = arith.constant 9.99999968E-21 : f32
    %lt3A_82 = vector.broadcast %lt3A_81 : f32 to vector<1x4096xf32>
    %lt3A_83 = arith.cmpf olt, %add3A_80, %lt3A_82 : vector<1x4096xf32>
    %jit3A_84 = arith.constant 1.000000e+00 : f32
    %broadcast_in_dim3A_85 = vector.broadcast %jit3A_84 : f32 to vector<1x4096xf32>
    %select_n3A_86 = arith.select %lt3A_83, %broadcast_in_dim3A_85, %add3A_80 : vector<1x4096xi1>, vector<1x4096xf32>
    %sqrt3A_87 = math.sqrt %select_n3A_86 : vector<1x4096xf32>
    %jit3A_88 = arith.constant 0.000000e+00 : f32
    %broadcast_in_dim3A_89 = vector.broadcast %jit3A_88 : f32 to vector<1x4096xf32>
    %select_n3A_90 = arith.select %lt3A_83, %broadcast_in_dim3A_89, %sqrt3A_87 : vector<1x4096xi1>, vector<1x4096xf32>
    %mul3A_91 = arith.mulf %slice3A_18, %sub3A : vector<1x4096xf32>
    %mul3A_92 = arith.mulf %slice3A_19, %sub3A_11 : vector<1x4096xf32>
    %add3A_93 = arith.addf %mul3A_91, %mul3A_92 : vector<1x4096xf32>
    %mul3A_94 = arith.mulf %slice3A_20, %sub3A_14 : vector<1x4096xf32>
    %add3A_95 = arith.addf %add3A_93, %mul3A_94 : vector<1x4096xf32>
    %eq3A_96 = arith.constant 0.000000e+00 : f32
    %eq3A_97 = vector.broadcast %eq3A_96 : f32 to vector<1x4096xf32>
    %eq3A_98 = arith.cmpf oeq, %select_n3A_90, %eq3A_97 : vector<1x4096xf32>
    %abs3A_99 = math.absf %add3A_95 : vector<1x4096xf32>
    %lt3A_100 = arith.constant 9.99999996E-13 : f32
    %lt3A_101 = vector.broadcast %lt3A_100 : f32 to vector<1x4096xf32>
    %lt3A_102 = arith.cmpf olt, %abs3A_99, %lt3A_101 : vector<1x4096xf32>
    %and3A_103 = arith.andi %eq3A_98, %lt3A_102 : vector<1x4096xi1>
    %jit3A_104 = arith.constant 1.000000e+00 : f32
    %broadcast_in_dim3A_105 = vector.broadcast %jit3A_104 : f32 to vector<1x4096xf32>
    %select_n3A_106 = arith.select %and3A_103, %broadcast_in_dim3A_105, %add3A_95 : vector<1x4096xi1>, vector<1x4096xf32>
    %atan23A_107 = math.atan2 %select_n3A_90, %select_n3A_106 : vector<1x4096xf32>
    %mul3A_108 = arith.mulf %slice3A_16, %slice3A_20 : vector<1x4096xf32>
    %mul3A_109 = arith.mulf %slice3A_17, %slice3A_19 : vector<1x4096xf32>
    %sub3A_110 = arith.subf %mul3A_108, %mul3A_109 : vector<1x4096xf32>
    %mul3A_111 = arith.mulf %slice3A_17, %slice3A_18 : vector<1x4096xf32>
    %mul3A_112 = arith.mulf %slice3A_15, %slice3A_20 : vector<1x4096xf32>
    %sub3A_113 = arith.subf %mul3A_111, %mul3A_112 : vector<1x4096xf32>
    %mul3A_114 = arith.mulf %slice3A_15, %slice3A_19 : vector<1x4096xf32>
    %mul3A_115 = arith.mulf %slice3A_16, %slice3A_18 : vector<1x4096xf32>
    %sub3A_116 = arith.subf %mul3A_114, %mul3A_115 : vector<1x4096xf32>
    %mul3A_117 = arith.mulf %sub3A_110, %sub3A_110 : vector<1x4096xf32>
    %mul3A_118 = arith.mulf %sub3A_113, %sub3A_113 : vector<1x4096xf32>
    %add3A_119 = arith.addf %mul3A_117, %mul3A_118 : vector<1x4096xf32>
    %mul3A_120 = arith.mulf %sub3A_116, %sub3A_116 : vector<1x4096xf32>
    %add3A_121 = arith.addf %add3A_119, %mul3A_120 : vector<1x4096xf32>
    %lt3A_122 = arith.constant 9.99999968E-21 : f32
    %lt3A_123 = vector.broadcast %lt3A_122 : f32 to vector<1x4096xf32>
    %lt3A_124 = arith.cmpf olt, %add3A_121, %lt3A_123 : vector<1x4096xf32>
    %jit3A_125 = arith.constant 1.000000e+00 : f32
    %broadcast_in_dim3A_126 = vector.broadcast %jit3A_125 : f32 to vector<1x4096xf32>
    %select_n3A_127 = arith.select %lt3A_124, %broadcast_in_dim3A_126, %add3A_121 : vector<1x4096xi1>, vector<1x4096xf32>
    %sqrt3A_128 = math.sqrt %select_n3A_127 : vector<1x4096xf32>
    %jit3A_129 = arith.constant 0.000000e+00 : f32
    %broadcast_in_dim3A_130 = vector.broadcast %jit3A_129 : f32 to vector<1x4096xf32>
    %select_n3A_131 = arith.select %lt3A_124, %broadcast_in_dim3A_130, %sqrt3A_128 : vector<1x4096xi1>, vector<1x4096xf32>
    %mul3A_132 = arith.mulf %slice3A_15, %slice3A_18 : vector<1x4096xf32>
    %mul3A_133 = arith.mulf %slice3A_16, %slice3A_19 : vector<1x4096xf32>
    %add3A_134 = arith.addf %mul3A_132, %mul3A_133 : vector<1x4096xf32>
    %mul3A_135 = arith.mulf %slice3A_17, %slice3A_20 : vector<1x4096xf32>
    %add3A_136 = arith.addf %add3A_134, %mul3A_135 : vector<1x4096xf32>
    %eq3A_137 = arith.constant 0.000000e+00 : f32
    %eq3A_138 = vector.broadcast %eq3A_137 : f32 to vector<1x4096xf32>
    %eq3A_139 = arith.cmpf oeq, %select_n3A_131, %eq3A_138 : vector<1x4096xf32>
    %abs3A_140 = math.absf %add3A_136 : vector<1x4096xf32>
    %lt3A_141 = arith.constant 9.99999996E-13 : f32
    %lt3A_142 = vector.broadcast %lt3A_141 : f32 to vector<1x4096xf32>
    %lt3A_143 = arith.cmpf olt, %abs3A_140, %lt3A_142 : vector<1x4096xf32>
    %and3A_144 = arith.andi %eq3A_139, %lt3A_143 : vector<1x4096xi1>
    %jit3A_145 = arith.constant 1.000000e+00 : f32
    %broadcast_in_dim3A_146 = vector.broadcast %jit3A_145 : f32 to vector<1x4096xf32>
    %select_n3A_147 = arith.select %and3A_144, %broadcast_in_dim3A_146, %add3A_136 : vector<1x4096xi1>, vector<1x4096xf32>
    %atan23A_148 = math.atan2 %select_n3A_131, %select_n3A_147 : vector<1x4096xf32>
    %concatenate3A = tpu.concatenate %select_n3A_29, %atan23A, %atan23A_107, %atan23A_148 in 0 : vector<1x4096xf32>, vector<1x4096xf32>, vector<1x4096xf32>, vector<1x4096xf32> -> vector<4x4096xf32>
    %transpose3A_149 = tpu.transpose %concatenate3A, [1, 0] : vector<4x4096xf32> -> vector<4096x4xf32>
    %get3A_150 = arith.constant 0 : index
    %get3A_151 = arith.constant 0 : index
    %get3A_152 = vector.load %arg4[%get3A_150, %get3A_151] : memref<1x64xf32, #tpu.memory_space<vmem>>, vector<1x64xf32>
    %get3A_153 = arith.constant 0 : index
    %get3A_154 = arith.constant 0 : index
    %get3A_155 = vector.load %arg6[%get3A_153, %get3A_154] : memref<1x64xf32, #tpu.memory_space<vmem>>, vector<1x64xf32>
    %get3A_156 = arith.constant 0 : index
    %get3A_157 = arith.constant 0 : index
    %get3A_158 = vector.load %arg5[%get3A_156, %get3A_157] : memref<64x64xf32, #tpu.memory_space<vmem>>, vector<64x64xf32>
    %get3A_159 = arith.constant 0 : index
    %get3A_160 = arith.constant 0 : index
    %get3A_161 = vector.load %arg3[%get3A_159, %get3A_160] : memref<4x64xf32, #tpu.memory_space<vmem>>, vector<4x64xf32>
    %dot_general3A = arith.constant dense<0.000000e+00> : vector<4096x64xf32>
    %dot_general3A_162 = tpu.matmul %transpose3A_149, %get3A_161, %dot_general3A {dimension_numbers = #tpu.dot_dimension_numbers<[1], [0], [0], [1], [0, 0, 1, 1], [], []>, transpose_lhs_hint = false} : vector<4096x4xf32>, vector<4x64xf32>, vector<4096x64xf32> -> vector<4096x64xf32>
    %add3A_163 = vector.broadcast %get3A_152 : vector<1x64xf32> to vector<4096x64xf32>
    %add3A_164 = arith.addf %dot_general3A_162, %add3A_163 : vector<4096x64xf32>
    %max3A = arith.constant 0.000000e+00 : f32
    %max3A_165 = vector.broadcast %max3A : f32 to vector<4096x64xf32>
    %max3A_166 = arith.maximumf %add3A_164, %max3A_165 : vector<4096x64xf32>
    %dot_general3A_167 = arith.constant dense<0.000000e+00> : vector<4096x64xf32>
    %dot_general3A_168 = tpu.matmul %max3A_166, %get3A_158, %dot_general3A_167 {dimension_numbers = #tpu.dot_dimension_numbers<[1], [0], [0], [1], [0, 0, 1, 1], [], []>, transpose_lhs_hint = false} : vector<4096x64xf32>, vector<64x64xf32>, vector<4096x64xf32> -> vector<4096x64xf32>
    %add3A_169 = vector.broadcast %get3A_155 : vector<1x64xf32> to vector<4096x64xf32>
    %add3A_170 = arith.addf %dot_general3A_168, %add3A_169 : vector<4096x64xf32>
    %reshape3A_171 = vector.shape_cast %add3A_170 : vector<4096x64xf32> to vector<256x16x64xf32>
    %reduce_max3A = arith.constant dense<0xFF800000> : vector<256x64xf32>
    %reduce_max3A_172 = vector.multi_reduction <maximumf>, %reshape3A_171, %reduce_max3A [1] : vector<256x16x64xf32> to vector<256x64xf32>
    %max3A_173 = arith.constant 0.000000e+00 : f32
    %max3A_174 = vector.broadcast %max3A_173 : f32 to vector<1x64xf32>
    %max3A_175 = arith.maximumf %get3A_152, %max3A_174 : vector<1x64xf32>
    %dot_general3A_176 = arith.constant dense<0.000000e+00> : vector<1x64xf32>
    %dot_general3A_177 = tpu.matmul %max3A_175, %get3A_158, %dot_general3A_176 {dimension_numbers = #tpu.dot_dimension_numbers<[1], [0], [0], [1], [0, 0, 1, 1], [], []>, transpose_lhs_hint = false} : vector<1x64xf32>, vector<64x64xf32>, vector<1x64xf32> -> vector<1x64xf32>
    %add3A_178 = arith.addf %dot_general3A_177, %get3A_155 : vector<1x64xf32>
    %swap3A = arith.constant 0 : index
    %swap3A_179 = arith.constant 0 : index
    %swap3A_180 = vector.load %arg7[%swap3A, %swap3A_179] : memref<4096x4xf32, #tpu.memory_space<vmem>>, vector<4096x4xf32>
    tpu.vector_store %arg7[%swap3A, %swap3A_179], %transpose3A_149 {strides = array<i32>} : memref<4096x4xf32, #tpu.memory_space<vmem>>, vector<4096x4xf32>,
    %max3A_181 = vector.broadcast %add3A_178 : vector<1x64xf32> to vector<256x64xf32>
    %max3A_182 = arith.maximumf %reduce_max3A_172, %max3A_181 : vector<256x64xf32>
    %max3A_183 = arith.constant 0.000000e+00 : f32
    %max3A_184 = vector.broadcast %max3A_183 : f32 to vector<256x64xf32>
    %max3A_185 = arith.maximumf %max3A_182, %max3A_184 : vector<256x64xf32>
    %swap3A_186 = arith.constant 0 : index
    %swap3A_187 = arith.constant 0 : index
    %swap3A_188 = vector.load %arg8[%swap3A_186, %swap3A_187] : memref<256x64xf32, #tpu.memory_space<vmem>>, vector<256x64xf32>
    tpu.vector_store %arg8[%swap3A_186, %swap3A_187], %max3A_185 {strides = array<i32>} : memref<256x64xf32, #tpu.memory_space<vmem>>, vector<256x64xf32>,
    return
  }
  func.func @transform_0(%arg0: i32) -> (i32, i32) {
    %c0_i32 = arith.constant 0 : i32
    %c0_i32_0 = arith.constant 0 : i32
    return %arg0, %c0_i32 : i32, i32
  }
  func.func @transform_1(%arg0: i32) -> (i32, i32) {
    %c0_i32 = arith.constant 0 : i32
    %c0_i32_0 = arith.constant 0 : i32
    return %arg0, %c0_i32 : i32, i32
  }
  func.func @transform_2(%arg0: i32) -> (i32, i32) {
    %c0_i32 = arith.constant 0 : i32
    %c0_i32_0 = arith.constant 0 : i32
    %c0_i32_1 = arith.constant 0 : i32
    return %c0_i32, %c0_i32_0 : i32, i32
  }
  func.func @transform_3(%arg0: i32) -> (i32, i32) {
    %c0_i32 = arith.constant 0 : i32
    %c0_i32_0 = arith.constant 0 : i32
    %c0_i32_1 = arith.constant 0 : i32
    return %c0_i32, %c0_i32_0 : i32, i32
  }
  func.func @transform_4(%arg0: i32) -> (i32, i32) {
    %c0_i32 = arith.constant 0 : i32
    %c0_i32_0 = arith.constant 0 : i32
    %c0_i32_1 = arith.constant 0 : i32
    return %c0_i32, %c0_i32_0 : i32, i32
  }
  func.func @transform_5(%arg0: i32) -> (i32, i32) {
    %c0_i32 = arith.constant 0 : i32
    %c0_i32_0 = arith.constant 0 : i32
    %c0_i32_1 = arith.constant 0 : i32
    return %c0_i32, %c0_i32_0 : i32, i32
  }
  func.func @transform_6(%arg0: i32) -> (i32, i32) {
    %c0_i32 = arith.constant 0 : i32
    %c0_i32_0 = arith.constant 0 : i32
    return %arg0, %c0_i32 : i32, i32
  }
  func.func @transform_7(%arg0: i32) -> (i32, i32) {
    %c0_i32 = arith.constant 0 : i32
    %c0_i32_0 = arith.constant 0 : i32
    return %arg0, %c0_i32 : i32, i32
  }
}

module attributes {stable_mosaic.version = 14 : i64} {
  func.func @_conv2_kernel(%arg0: i32, %arg1: memref<4096x64xf32, #tpu.memory_space<vmem>>, %arg2: memref<4096x4xf32, #tpu.memory_space<vmem>>, %arg3: memref<256x64xf32, #tpu.memory_space<vmem>>, %arg4: memref<1x256xi32, #tpu.memory_space<vmem>>, %arg5: memref<64x64xf32, #tpu.memory_space<vmem>>, %arg6: memref<4x64xf32, #tpu.memory_space<vmem>>, %arg7: memref<1x64xf32, #tpu.memory_space<vmem>>, %arg8: memref<64x64xf32, #tpu.memory_space<vmem>>, %arg9: memref<1x64xf32, #tpu.memory_space<vmem>>, %arg10: memref<64x40xf32, #tpu.memory_space<vmem>>, %arg11: memref<1x40xf32, #tpu.memory_space<vmem>>, %arg12: memref<8x64xf32, #tpu.memory_space<vmem>>, %arg13: memref<8x1xf32, #tpu.memory_space<vmem>>, %arg14: memref<8x40xf32, #tpu.memory_space<vmem>>) attributes {dimension_semantics = [#tpu.dimension_semantics<arbitrary>], iteration_bounds = array<i64: 32>, scalar_prefetch = 0 : i64, scratch_operands = 0 : i64, tpu.core_type = #tpu.core_type<tc>, window_params = [{transform_indices = @transform_0, window_bounds = array<i64: 4096, 64>}, {transform_indices = @transform_1, window_bounds = array<i64: 4096, 4>}, {transform_indices = @transform_2, window_bounds = array<i64: 256, 64>}, {transform_indices = @transform_3, window_bounds = array<i64: 1, 256>}, {pipeline_mode = #tpu.pipeline_mode<synchronous>, transform_indices = @transform_4, window_bounds = array<i64: 64, 64>}, {pipeline_mode = #tpu.pipeline_mode<synchronous>, transform_indices = @transform_5, window_bounds = array<i64: 4, 64>}, {pipeline_mode = #tpu.pipeline_mode<synchronous>, transform_indices = @transform_6, window_bounds = array<i64: 1, 64>}, {pipeline_mode = #tpu.pipeline_mode<synchronous>, transform_indices = @transform_7, window_bounds = array<i64: 64, 64>}, {pipeline_mode = #tpu.pipeline_mode<synchronous>, transform_indices = @transform_8, window_bounds = array<i64: 1, 64>}, {pipeline_mode = #tpu.pipeline_mode<synchronous>, transform_indices = @transform_9, window_bounds = array<i64: 64, 40>}, {pipeline_mode = #tpu.pipeline_mode<synchronous>, transform_indices = @transform_10, window_bounds = array<i64: 1, 40>}, {pipeline_mode = #tpu.pipeline_mode<synchronous>, transform_indices = @transform_11, window_bounds = array<i64: 8, 64>}, {pipeline_mode = #tpu.pipeline_mode<synchronous>, transform_indices = @transform_12, window_bounds = array<i64: 8, 1>}, {pipeline_mode = #tpu.pipeline_mode<synchronous>, transform_indices = @transform_13, window_bounds = array<i64: 8, 40>}]} {
    %get3A = arith.constant 0 : index
    %get3A_0 = arith.constant 0 : index
    %get3A_1 = vector.load %arg8[%get3A, %get3A_0] : memref<64x64xf32, #tpu.memory_space<vmem>>, vector<64x64xf32>
    %get3A_2 = arith.constant 0 : index
    %get3A_3 = arith.constant 0 : index
    %get3A_4 = vector.load %arg9[%get3A_2, %get3A_3] : memref<1x64xf32, #tpu.memory_space<vmem>>, vector<1x64xf32>
    %get3A_5 = arith.constant 0 : index
    %get3A_6 = arith.constant 0 : index
    %get3A_7 = vector.load %arg1[%get3A_5, %get3A_6] : memref<4096x64xf32, #tpu.memory_space<vmem>>, vector<4096x64xf32>
    %get3A_8 = arith.constant 0 : index
    %get3A_9 = arith.constant 0 : index
    %get3A_10 = vector.load %arg5[%get3A_8, %get3A_9] : memref<64x64xf32, #tpu.memory_space<vmem>>, vector<64x64xf32>
    %dot_general3A = arith.constant dense<0.000000e+00> : vector<4096x64xf32>
    %dot_general3A_11 = tpu.matmul %get3A_7, %get3A_10, %dot_general3A {dimension_numbers = #tpu.dot_dimension_numbers<[1], [0], [0], [1], [0, 0, 1, 1], [], []>, transpose_lhs_hint = false} : vector<4096x64xf32>, vector<64x64xf32>, vector<4096x64xf32> -> vector<4096x64xf32>
    %get3A_12 = arith.constant 0 : index
    %get3A_13 = arith.constant 0 : index
    %get3A_14 = vector.load %arg2[%get3A_12, %get3A_13] : memref<4096x4xf32, #tpu.memory_space<vmem>>, vector<4096x4xf32>
    %get3A_15 = arith.constant 0 : index
    %get3A_16 = arith.constant 0 : index
    %get3A_17 = vector.load %arg6[%get3A_15, %get3A_16] : memref<4x64xf32, #tpu.memory_space<vmem>>, vector<4x64xf32>
    %dot_general3A_18 = arith.constant dense<0.000000e+00> : vector<4096x64xf32>
    %dot_general3A_19 = tpu.matmul %get3A_14, %get3A_17, %dot_general3A_18 {dimension_numbers = #tpu.dot_dimension_numbers<[1], [0], [0], [1], [0, 0, 1, 1], [], []>, transpose_lhs_hint = false} : vector<4096x4xf32>, vector<4x64xf32>, vector<4096x64xf32> -> vector<4096x64xf32>
    %add3A = arith.addf %dot_general3A_11, %dot_general3A_19 : vector<4096x64xf32>
    %get3A_20 = arith.constant 0 : index
    %get3A_21 = arith.constant 0 : index
    %get3A_22 = vector.load %arg7[%get3A_20, %get3A_21] : memref<1x64xf32, #tpu.memory_space<vmem>>, vector<1x64xf32>
    %add3A_23 = vector.broadcast %get3A_22 : vector<1x64xf32> to vector<4096x64xf32>
    %add3A_24 = arith.addf %add3A, %add3A_23 : vector<4096x64xf32>
    %max3A = arith.constant 0.000000e+00 : f32
    %max3A_25 = vector.broadcast %max3A : f32 to vector<4096x64xf32>
    %max3A_26 = arith.maximumf %add3A_24, %max3A_25 : vector<4096x64xf32>
    %dot_general3A_27 = arith.constant dense<0.000000e+00> : vector<4096x64xf32>
    %dot_general3A_28 = tpu.matmul %max3A_26, %get3A_1, %dot_general3A_27 {dimension_numbers = #tpu.dot_dimension_numbers<[1], [0], [0], [1], [0, 0, 1, 1], [], []>, transpose_lhs_hint = false} : vector<4096x64xf32>, vector<64x64xf32>, vector<4096x64xf32> -> vector<4096x64xf32>
    %add3A_29 = vector.broadcast %get3A_4 : vector<1x64xf32> to vector<4096x64xf32>
    %add3A_30 = arith.addf %dot_general3A_28, %add3A_29 : vector<4096x64xf32>
    %reshape3A = vector.shape_cast %add3A_30 : vector<4096x64xf32> to vector<256x16x64xf32>
    %reduce_max3A = arith.constant dense<0xFF800000> : vector<256x64xf32>
    %reduce_max3A_31 = vector.multi_reduction <maximumf>, %reshape3A, %reduce_max3A [1] : vector<256x16x64xf32> to vector<256x64xf32>
    %get3A_32 = arith.constant 0 : index
    %get3A_33 = arith.constant 0 : index
    %get3A_34 = vector.load %arg3[%get3A_32, %get3A_33] : memref<256x64xf32, #tpu.memory_space<vmem>>, vector<256x64xf32>
    %get3A_35 = arith.constant 0 : index
    %get3A_36 = arith.constant 0 : index
    %get3A_37 = vector.load %arg5[%get3A_35, %get3A_36] : memref<64x64xf32, #tpu.memory_space<vmem>>, vector<64x64xf32>
    %dot_general3A_38 = arith.constant dense<0.000000e+00> : vector<256x64xf32>
    %dot_general3A_39 = tpu.matmul %get3A_34, %get3A_37, %dot_general3A_38 {dimension_numbers = #tpu.dot_dimension_numbers<[1], [0], [0], [1], [0, 0, 1, 1], [], []>, transpose_lhs_hint = false} : vector<256x64xf32>, vector<64x64xf32>, vector<256x64xf32> -> vector<256x64xf32>
    %get3A_40 = arith.constant 0 : index
    %get3A_41 = arith.constant 0 : index
    %get3A_42 = vector.load %arg7[%get3A_40, %get3A_41] : memref<1x64xf32, #tpu.memory_space<vmem>>, vector<1x64xf32>
    %add3A_43 = vector.broadcast %get3A_42 : vector<1x64xf32> to vector<256x64xf32>
    %add3A_44 = arith.addf %dot_general3A_39, %add3A_43 : vector<256x64xf32>
    %max3A_45 = arith.constant 0.000000e+00 : f32
    %max3A_46 = vector.broadcast %max3A_45 : f32 to vector<256x64xf32>
    %max3A_47 = arith.maximumf %add3A_44, %max3A_46 : vector<256x64xf32>
    %dot_general3A_48 = arith.constant dense<0.000000e+00> : vector<256x64xf32>
    %dot_general3A_49 = tpu.matmul %max3A_47, %get3A_1, %dot_general3A_48 {dimension_numbers = #tpu.dot_dimension_numbers<[1], [0], [0], [1], [0, 0, 1, 1], [], []>, transpose_lhs_hint = false} : vector<256x64xf32>, vector<64x64xf32>, vector<256x64xf32> -> vector<256x64xf32>
    %add3A_50 = vector.broadcast %get3A_4 : vector<1x64xf32> to vector<256x64xf32>
    %add3A_51 = arith.addf %dot_general3A_49, %add3A_50 : vector<256x64xf32>
    %max3A_52 = arith.maximumf %reduce_max3A_31, %add3A_51 : vector<256x64xf32>
    %max3A_53 = arith.constant 0.000000e+00 : f32
    %max3A_54 = vector.broadcast %max3A_53 : f32 to vector<256x64xf32>
    %max3A_55 = arith.maximumf %max3A_52, %max3A_54 : vector<256x64xf32>
    %get3A_56 = arith.constant 0 : index
    %get3A_57 = arith.constant 0 : index
    %get3A_58 = vector.load %arg4[%get3A_56, %get3A_57] : memref<1x256xi32, #tpu.memory_space<vmem>>, vector<1x256xi32>
    %iota3A = tpu.iota {dimensions = array<i32: 0>} : vector<8x1xi32>
    %eq3A = vector.broadcast %get3A_58 : vector<1x256xi32> to vector<8x256xi32>
    %eq3A_59 = vector.broadcast %iota3A : vector<8x1xi32> to vector<8x256xi32>
    %eq3A_60 = arith.cmpi eq, %eq3A, %eq3A_59 : vector<8x256xi32>
    %convert_element_type3A = arith.extui %eq3A_60 : vector<8x256xi1> to vector<8x256xi32>
    %convert_element_type3A_61 = arith.sitofp %convert_element_type3A : vector<8x256xi32> to vector<8x256xf32>
    %dot_general3A_62 = arith.constant dense<0.000000e+00> : vector<8x64xf32>
    %dot_general3A_63 = tpu.matmul %convert_element_type3A_61, %max3A_55, %dot_general3A_62 {dimension_numbers = #tpu.dot_dimension_numbers<[1], [0], [0], [1], [0, 0, 1, 1], [], []>, transpose_lhs_hint = false} : vector<8x256xf32>, vector<256x64xf32>, vector<8x64xf32> -> vector<8x64xf32>
    %reduce_sum3A = arith.constant dense<0.000000e+00> : vector<8xf32>
    %reduce_sum3A_64 = vector.multi_reduction <add>, %convert_element_type3A_61, %reduce_sum3A [1] : vector<8x256xf32> to vector<8xf32>
    %broadcast_in_dim3A = vector.shape_cast %reduce_sum3A_64 : vector<8xf32> to vector<8x1xf32>
    %eq3A_65 = arith.constant 0 : i32
    %eq3A_66 = arith.cmpi eq, %arg0, %eq3A_65 : i32
    %convert_element_type3A_67 = arith.extui %eq3A_66 : i1 to i32
    %cond3A = arith.constant 0 : i32
    %cond3A_68 = arith.cmpi ne, %convert_element_type3A_67, %cond3A : i32
    scf.if %cond3A_68 {
      %broadcast_in_dim3A_87 = arith.constant 0.000000e+00 : f32
      %broadcast_in_dim3A_88 = vector.broadcast %broadcast_in_dim3A_87 : f32 to vector<8x64xf32>
      %swap3A_89 = arith.constant 0 : index
      %swap3A_90 = arith.constant 0 : index
      %swap3A_91 = vector.load %arg12[%swap3A_89, %swap3A_90] : memref<8x64xf32, #tpu.memory_space<vmem>>, vector<8x64xf32>
      tpu.vector_store %arg12[%swap3A_89, %swap3A_90], %broadcast_in_dim3A_88 {strides = array<i32>} : memref<8x64xf32, #tpu.memory_space<vmem>>, vector<8x64xf32>,
      %broadcast_in_dim3A_92 = arith.constant 0.000000e+00 : f32
      %broadcast_in_dim3A_93 = vector.broadcast %broadcast_in_dim3A_92 : f32 to vector<8x1xf32>
      %swap3A_94 = arith.constant 0 : index
      %swap3A_95 = arith.constant 0 : index
      %swap3A_96 = vector.load %arg13[%swap3A_94, %swap3A_95] : memref<8x1xf32, #tpu.memory_space<vmem>>, vector<8x1xf32>
      tpu.vector_store %arg13[%swap3A_94, %swap3A_95], %broadcast_in_dim3A_93 {strides = array<i32>} : memref<8x1xf32, #tpu.memory_space<vmem>>, vector<8x1xf32>,
      %broadcast_in_dim3A_97 = arith.constant 0.000000e+00 : f32
      %broadcast_in_dim3A_98 = vector.broadcast %broadcast_in_dim3A_97 : f32 to vector<8x40xf32>
      %swap3A_99 = arith.constant 0 : index
      %swap3A_100 = arith.constant 0 : index
      %swap3A_101 = vector.load %arg14[%swap3A_99, %swap3A_100] : memref<8x40xf32, #tpu.memory_space<vmem>>, vector<8x40xf32>
      tpu.vector_store %arg14[%swap3A_99, %swap3A_100], %broadcast_in_dim3A_98 {strides = array<i32>} : memref<8x40xf32, #tpu.memory_space<vmem>>, vector<8x40xf32>,
    } else {
    }
    %get3A_69 = arith.constant 0 : index
    %get3A_70 = arith.constant 0 : index
    %get3A_71 = vector.load %arg12[%get3A_69, %get3A_70] : memref<8x64xf32, #tpu.memory_space<vmem>>, vector<8x64xf32>
    %add3A_72 = arith.addf %get3A_71, %dot_general3A_63 : vector<8x64xf32>
    %swap3A = arith.constant 0 : index
    %swap3A_73 = arith.constant 0 : index
    %swap3A_74 = vector.load %arg12[%swap3A, %swap3A_73] : memref<8x64xf32, #tpu.memory_space<vmem>>, vector<8x64xf32>
    tpu.vector_store %arg12[%swap3A, %swap3A_73], %add3A_72 {strides = array<i32>} : memref<8x64xf32, #tpu.memory_space<vmem>>, vector<8x64xf32>,
    %get3A_75 = arith.constant 0 : index
    %get3A_76 = arith.constant 0 : index
    %get3A_77 = vector.load %arg13[%get3A_75, %get3A_76] : memref<8x1xf32, #tpu.memory_space<vmem>>, vector<8x1xf32>
    %add3A_78 = arith.addf %get3A_77, %broadcast_in_dim3A : vector<8x1xf32>
    %swap3A_79 = arith.constant 0 : index
    %swap3A_80 = arith.constant 0 : index
    %swap3A_81 = vector.load %arg13[%swap3A_79, %swap3A_80] : memref<8x1xf32, #tpu.memory_space<vmem>>, vector<8x1xf32>
    tpu.vector_store %arg13[%swap3A_79, %swap3A_80], %add3A_78 {strides = array<i32>} : memref<8x1xf32, #tpu.memory_space<vmem>>, vector<8x1xf32>,
    %eq3A_82 = arith.constant 31 : i32
    %eq3A_83 = arith.cmpi eq, %arg0, %eq3A_82 : i32
    %convert_element_type3A_84 = arith.extui %eq3A_83 : i1 to i32
    %cond3A_85 = arith.constant 0 : i32
    %cond3A_86 = arith.cmpi ne, %convert_element_type3A_84, %cond3A_85 : i32
    scf.if %cond3A_86 {
      %get3A_87 = arith.constant 0 : index
      %get3A_88 = arith.constant 0 : index
      %get3A_89 = vector.load %arg12[%get3A_87, %get3A_88] : memref<8x64xf32, #tpu.memory_space<vmem>>, vector<8x64xf32>
      %get3A_90 = arith.constant 0 : index
      %get3A_91 = arith.constant 0 : index
      %get3A_92 = vector.load %arg13[%get3A_90, %get3A_91] : memref<8x1xf32, #tpu.memory_space<vmem>>, vector<8x1xf32>
      %max3A_93 = arith.constant 1.000000e+00 : f32
      %max3A_94 = vector.broadcast %max3A_93 : f32 to vector<8x1xf32>
      %max3A_95 = arith.maximumf %get3A_92, %max3A_94 : vector<8x1xf32>
      %div3A = vector.broadcast %max3A_95 : vector<8x1xf32> to vector<8x64xf32>
      %div3A_96 = arith.divf %get3A_89, %div3A : vector<8x64xf32>
      %get3A_97 = arith.constant 0 : index
      %get3A_98 = arith.constant 0 : index
      %get3A_99 = vector.load %arg10[%get3A_97, %get3A_98] : memref<64x40xf32, #tpu.memory_space<vmem>>, vector<64x40xf32>
      %dot_general3A_100 = arith.constant dense<0.000000e+00> : vector<8x40xf32>
      %dot_general3A_101 = tpu.matmul %div3A_96, %get3A_99, %dot_general3A_100 {dimension_numbers = #tpu.dot_dimension_numbers<[1], [0], [0], [1], [0, 0, 1, 1], [], []>, transpose_lhs_hint = false} : vector<8x64xf32>, vector<64x40xf32>, vector<8x40xf32> -> vector<8x40xf32>
      %get3A_102 = arith.constant 0 : index
      %get3A_103 = arith.constant 0 : index
      %get3A_104 = vector.load %arg11[%get3A_102, %get3A_103] : memref<1x40xf32, #tpu.memory_space<vmem>>, vector<1x40xf32>
      %add3A_105 = vector.broadcast %get3A_104 : vector<1x40xf32> to vector<8x40xf32>
      %add3A_106 = arith.addf %dot_general3A_101, %add3A_105 : vector<8x40xf32>
      %swap3A_107 = arith.constant 0 : index
      %swap3A_108 = arith.constant 0 : index
      %swap3A_109 = vector.load %arg14[%swap3A_107, %swap3A_108] : memref<8x40xf32, #tpu.memory_space<vmem>>, vector<8x40xf32>
      tpu.vector_store %arg14[%swap3A_107, %swap3A_108], %add3A_106 {strides = array<i32>} : memref<8x40xf32, #tpu.memory_space<vmem>>, vector<8x40xf32>,
    } else {
    }
    return
  }
  func.func @transform_0(%arg0: i32) -> (i32, i32) {
    %c0_i32 = arith.constant 0 : i32
    %c0_i32_0 = arith.constant 0 : i32
    return %arg0, %c0_i32 : i32, i32
  }
  func.func @transform_1(%arg0: i32) -> (i32, i32) {
    %c0_i32 = arith.constant 0 : i32
    %c0_i32_0 = arith.constant 0 : i32
    return %arg0, %c0_i32 : i32, i32
  }
  func.func @transform_2(%arg0: i32) -> (i32, i32) {
    %c0_i32 = arith.constant 0 : i32
    %c0_i32_0 = arith.constant 0 : i32
    return %arg0, %c0_i32 : i32, i32
  }
  func.func @transform_3(%arg0: i32) -> (i32, i32) {
    %c0_i32 = arith.constant 0 : i32
    %c0_i32_0 = arith.constant 0 : i32
    return %c0_i32, %arg0 : i32, i32
  }
  func.func @transform_4(%arg0: i32) -> (i32, i32) {
    %c0_i32 = arith.constant 0 : i32
    %c0_i32_0 = arith.constant 0 : i32
    %c0_i32_1 = arith.constant 0 : i32
    return %c0_i32, %c0_i32_0 : i32, i32
  }
  func.func @transform_5(%arg0: i32) -> (i32, i32) {
    %c0_i32 = arith.constant 0 : i32
    %c0_i32_0 = arith.constant 0 : i32
    %c0_i32_1 = arith.constant 0 : i32
    return %c0_i32, %c0_i32_0 : i32, i32
  }
  func.func @transform_6(%arg0: i32) -> (i32, i32) {
    %c0_i32 = arith.constant 0 : i32
    %c0_i32_0 = arith.constant 0 : i32
    %c0_i32_1 = arith.constant 0 : i32
    return %c0_i32, %c0_i32_0 : i32, i32
  }
  func.func @transform_7(%arg0: i32) -> (i32, i32) {
    %c0_i32 = arith.constant 0 : i32
    %c0_i32_0 = arith.constant 0 : i32
    %c0_i32_1 = arith.constant 0 : i32
    return %c0_i32, %c0_i32_0 : i32, i32
  }
  func.func @transform_8(%arg0: i32) -> (i32, i32) {
    %c0_i32 = arith.constant 0 : i32
    %c0_i32_0 = arith.constant 0 : i32
    %c0_i32_1 = arith.constant 0 : i32
    return %c0_i32, %c0_i32_0 : i32, i32
  }
  func.func @transform_9(%arg0: i32) -> (i32, i32) {
    %c0_i32 = arith.constant 0 : i32
    %c0_i32_0 = arith.constant 0 : i32
    %c0_i32_1 = arith.constant 0 : i32
    return %c0_i32, %c0_i32_0 : i32, i32
  }
  func.func @transform_10(%arg0: i32) -> (i32, i32) {
    %c0_i32 = arith.constant 0 : i32
    %c0_i32_0 = arith.constant 0 : i32
    %c0_i32_1 = arith.constant 0 : i32
    return %c0_i32, %c0_i32_0 : i32, i32
  }
  func.func @transform_11(%arg0: i32) -> (i32, i32) {
    %c0_i32 = arith.constant 0 : i32
    %c0_i32_0 = arith.constant 0 : i32
    %c0_i32_1 = arith.constant 0 : i32
    return %c0_i32, %c0_i32_0 : i32, i32
  }
  func.func @transform_12(%arg0: i32) -> (i32, i32) {
    %c0_i32 = arith.constant 0 : i32
    %c0_i32_0 = arith.constant 0 : i32
    %c0_i32_1 = arith.constant 0 : i32
    return %c0_i32, %c0_i32_0 : i32, i32
  }
  func.func @transform_13(%arg0: i32) -> (i32, i32) {
    %c0_i32 = arith.constant 0 : i32
    %c0_i32_0 = arith.constant 0 : i32
    %c0_i32_1 = arith.constant 0 : i32
    return %c0_i32, %c0_i32_0 : i32, i32
  }
}

</mosaic_0001>

<sc_bundles>
// kernel: kernel.10.cloned.1.call-start
scs
__scs_entry_jumppad:
0x0: {  	(pc) =	sbr.rel $0x88, $3  }
0x1: {  	(tag) =	ssettag $0x0;
	lr =	simm.s32 $0x1  }
0x2: {  	[smem:$0x3F94] =	sst lr;
	_ =	strace $0xD0000000  }
0x3: {  	_ = 	snop  }
0x4: {  	_ = 	snop  }
0x5: {  	_ = 	snop  }
0x6: {  	_ = 	snop  }
0x7: {  	_ = 	snop  }
__scs_overlays_trampoline_lowered:
0x8: {  	[smem:$0x3FA3] =	sst s0  }
0x9: {  	[smem:$0x3FA4] =	sst s1  }
0xa: {  	[smem:$0x3FA5] =	sst s2  }
0xb: {  	[smem:$0x3FA6] =	sst s3  }
0xc: {  	[smem:$0x3FA7] =	sst s4  }
0xd: {  	[smem:$0x3FA8] =	sst s5  }
0xe: {  	[smem:$0x3FA9] =	sst s6  }
0xf: {  	[smem:$0x3FAA] =	sst s7  }
0x10: {  	[smem:$0x3FAB] =	sst s8  }
0x11: {  	[smem:$0x3FAC] =	sst s9;
	s0 =	simm.s32 @!p0 $0x0  }
0x12: {  	s1 =	sld [smem:$0x3F92];
	s0 =	simm.s32 @p0 $0x1  }
0x13: {  	[smem:$0x3FAD] =	sst s0;
	s0 =	simm.s32 @!p1 $0x0  }
0x14: {  	s2 =	sld [smem:$0x3F91];
	s0 =	simm.s32 @p1 $0x1  }
0x15: {  	[smem:$0x3FAE] =	sst s0;
	s0 =	simm.s32 @!p2 $0x0  }
0x16: {  	s3 =	sld [smem:$0x3FDB];
	s0 =	simm.s32 @p2 $0x1  }
0x17: {  	s4 =	simm.s32 $0x1BF5;
	[smem:$0x3FB0] =	sst s0  }
0x18: {  	s0 =	sld [smem:$0x3F93];
	_ =	swait.ge [sflag:s4], $0x0  }
0x19: {  	s7 =	sld [smem:$0x3F94]  }
0x1a: {  	s8 =	sadd.s32 $0xFFFFE003, lr  }
0x1b: {  	s9 =	sadd.s32 $0xFFFFFEF7, lr;
	s5 =	simm.s32 $0xFFFFFFFF;
	p2 =	slt.u32 s8, $0xFFFFF086  }
0x1c: {  	p1 =	slt.u32 s9, $0xF7A;
	s5 =	simm.s32 @!p2 $0x0  }
0x1d: {  	s5 =	simm.s32 @p1 $0x1;
	p0 =	seq.s32 s7, s2  }
0x1e: {  	s7 =	smul.u32 @!p0 $0xF7A, s2;
	p2 =	seq.s32 @!p0 s5, $0x0  }
0x1f: {  	s9 =	smul.u32 $0xF7A, s1;
	s8 =	simm.s32 @!p0 $0x1BF5;
	p2 =	por !p2, p0  }
0x20: {  	[sflag:s8] =	ssyncset.s32 @!p0 $0xFFFFF086;
	s6 =	sadd.s32 @!p0 s3, s7;
	s7 =	simm.s32 @!p0 $0x108  }
0x21: {  	s3 =	sadd.s32 s3, s9;
	s6 =	sadd.s32 @!p0 $0x88, s6;
	s7 =	simm.s32 @p2 $0x1082  }
0x22: {  	[simem:s7], [sflag:s8] =	dma.local @!p0 [hbm:s6], $0xF7A  }
0x23: {  	s9 =	sor.u32 $0xD0000000, s2;
	s6 =	simm.s32 $0x108;
	_ =	swait.ge @!p0 [sflag:s8], $0x0  }
0x24: {  	s3 =	sadd.s32 $0x88, s3;
	s6 =	simm.s32 @!p1 $0x1082;
	[sflag:s4] =	ssyncset.s32 $0xFFFFF086  }
0x25: {  	[simem:s6], [sflag:s4] =	dma.local [hbm:s3], $0xF7A  }
0x26: {  	[smem:$0x3F94] =	sst s1;
	(tag) =	ssettag s2;
	_ =	strace s9  }
0x27: {  	s1 =	sld [smem:$0x3FA4]  }
0x28: {  	s2 =	sld [smem:$0x3FA5]  }
0x29: {  	s4 =	sld [smem:$0x3FA7]  }
0x2a: {  	p0 =	seq.s32 s5, $0x0;
	s5 =	sld [smem:$0x3FA8]  }
0x2b: {  	s6 =	sld [smem:$0x3FA9]  }
0x2c: {  	s7 =	sld [smem:$0x3FAA]  }
0x2d: {  	s3 =	simm.s32 $0x108;
	s8 =	sld [smem:$0x3FAB]  }
0x2e: {  	s3 =	simm.s32 @!p0 $0x1082;
	s9 =	sld [smem:$0x3FAC]  }
0x2f: {  	lr =	sadd.s32 s0, s3;
	s0 =	sld [smem:$0x3FA3]  }
0x30: {  	s3 =	sld [smem:$0x3FA6]  }
0x31: {  	[smem:$0x3FAF] =	sst s10  }
0x32: {  	s10 =	sld [smem:$0x3FAD];
	_ =	sdelay $0x3  }
0x33: {  	p0 =	seq.s32 s10, $0x1;
	s10 =	sld [smem:$0x3FAF];
	_ =	sdelay $0x3  }
0x34: {  	[smem:$0x3FAF] =	sst s10  }
0x35: {  	s10 =	sld [smem:$0x3FAE];
	_ =	sdelay $0x3  }
0x36: {  	p1 =	seq.s32 s10, $0x1;
	s10 =	sld [smem:$0x3FAF];
	_ =	sdelay $0x3  }
0x37: {  	[smem:$0x3FAF] =	sst s10  }
0x38: {  	s10 =	sld [smem:$0x3FB0]  }
0x39: {  	_ = 	snop;
	(pc) =	sbr.ind lr, $3  }
0x3a: {  	_ = 	snop  }
0x3b: {  	_ = 	snop  }
0x3c: {  	p2 =	seq.s32 s10, $0x1;
	s10 =	sld [smem:$0x3FAF]  }
0x3d: {  	_ =	shalt  }
0x3e: {  	_ =	shalt  }
0x3f: {  	_ =	shalt  }
0x40: {  	_ =	shalt  }
0x41: {  	_ =	shalt  }
0x42: {  	_ =	shalt  }
0x43: {  	_ =	shalt  }
0x44: {  	_ =	shalt  }
0x45: {  	_ =	shalt  }
0x46: {  	_ =	shalt  }
0x47: {  	_ =	shalt  }
0x48: {  	_ =	shalt  }
0x49: {  	_ =	shalt  }
0x4a: {  	_ =	shalt  }
0x4b: {  	_ =	shalt  }
0x4c: {  	_ =	shalt  }
0x4d: {  	_ =	shalt  }
0x4e: {  	_ =	shalt  }
0x4f: {  	_ =	shalt  }
0x50: {  	_ =	shalt  }
0x51: {  	_ =	shalt  }
0x52: {  	_ =	shalt  }
0x53: {  	_ =	shalt  }
0x54: {  	_ =	shalt  }
0x55: {  	_ =	shalt  }
0x56: {  	_ =	shalt  }
0x57: {  	_ =	shalt  }
0x58: {  	_ =	shalt  }
0x59: {  	_ =	shalt  }
0x5a: {  	_ =	shalt  }
0x5b: {  	_ =	shalt  }
0x5c: {  	_ =	shalt  }
0x5d: {  	_ =	shalt  }
0x5e: {  	_ =	shalt  }
0x5f: {  	_ =	shalt  }
0x60: {  	_ =	shalt  }
0x61: {  	_ =	shalt  }
0x62: {  	_ =	shalt  }
0x63: {  	_ =	shalt  }
0x64: {  	_ =	shalt  }
0x65: {  	_ =	shalt  }
0x66: {  	_ =	shalt  }
0x67: {  	_ =	shalt  }
0x68: {  	_ =	shalt  }
0x69: {  	_ =	shalt  }
0x6a: {  	_ =	shalt  }
0x6b: {  	_ =	shalt  }
0x6c: {  	_ =	shalt  }
0x6d: {  	_ =	shalt  }
0x6e: {  	_ =	shalt  }
0x6f: {  	_ =	shalt  }
0x70: {  	_ =	shalt  }
0x71: {  	_ =	shalt  }
0x72: {  	_ =	shalt  }
0x73: {  	_ =	shalt  }
0x74: {  	_ =	shalt  }
0x75: {  	_ =	shalt  }
0x76: {  	_ =	shalt  }
0x77: {  	_ =	shalt  }
0x78: {  	_ =	shalt  }
0x79: {  	_ =	shalt  }
0x7a: {  	_ =	shalt  }
0x7b: {  	_ =	shalt  }
0x7c: {  	_ =	shalt  }
0x7d: {  	_ =	shalt  }
0x7e: {  	_ =	shalt  }
0x7f: {  	_ =	shalt  }
0x80: {  	_ =	shalt  }
0x81: {  	_ =	shalt  }
0x82: {  	_ =	shalt  }
0x83: {  	_ =	shalt  }
0x84: {  	_ =	shalt  }
0x85: {  	_ =	shalt  }
0x86: {  	_ =	shalt  }
0x87: {  	_ =	shalt  }
.Lfunc_end0:
.L_simem_size_0:
called_computation.1_lowered:
.L_overlay_start_0:
0x88: {  	s2 =	sld [smem:$0x3FD9]  }
0x89: {  	s3 =	sld [smem:$0x3FFE];
	_ =	sdelay $0x1  }
0x8a: {  	s1 =	srdreg.scid  }
0x8b: {  	s0 =	sand.u32 $0x1, s1  }
0x8c: {  	s16 =	sshll.u32 s0, $0xA;
	s2 =	sadd.s32 s3, s2  }
0x8d: {  	s2 =	sadd.s32 s2, s16  }
0x8e: {  	[smem:$0x3FBB] =	sst s2  }
0x8f: {  	_ = 	snop  }
0x90: {  	(tm) =	ssettm $0x1  }
0x91: {  	s17 =	sld [smem:$0x3FFB];
	_ =	sdelay $0x3  }
0x92: {  	_ =	strace s17  }
0x93: {  	s2 =	sld [smem:$0x3FFC];
	_ =	sdelay $0x3  }
0x94: {  	_ =	strace s2  }
0x95: {  	s2 =	sld [smem:$0x3FFD];
	_ =	sdelay $0x3  }
0x96: {  	_ =	strace s2  }
0x97: {  	_ =	strace $0x8FFFFFFF  }
0x98: {  	s18 =	sld [smem:$0x3FDB];
	_ =	sdelay $0x1  }
0x99: {  	s19 =	simm.s32 $_scs_section_size  }
0x9a: {  	s4 =	simm.s32 $_size__tile_overlayer_lowered;
	s5 =	simm.s32 $_tile_overlayer_lowered  }
0x9b: {  	s22 =	simm.s32 $0x1BFF;
	s21 =	sshll.u32 s5, $0x1;
	s2 =	sadd.s32 s19, s18  }
0x9c: {  	s6 =	simm.s32 $0x0;
	s20 =	sshll.u32 s4, $0x1;
	s4 =	sadd.s32 s21, s2  }
0x9d: {  	[timem:s6], [sflag:s22] =	dma.local [hbm:s4], s20  }
0x9e: {  	_ =	swait.ge [sflag:s22], s20  }
0x9f: {  	s3 =	ssub.s32 $0x0, s20;
	[sflag:s22] =	ssyncset.done $0x0  }
0xa0: {  	[sflag:s22] =	ssyncadd.s32 s3;
	_ =	sdelay $0x1  }
0xa1: {  	s23 =	simm.s32 $0x1B8B  }
0xa2: {  	_ =	swait.ge [sflag:s23], $0x1  }
0xa3: {  	[sflag:s23] =	ssyncset.done $0x0  }
0xa4: {  	s25 =	simm.s32 $0x1B8E;
	s24 =	sld [smem:$0x3FFE];
	[sflag:s23] =	ssyncadd.s32 $0xFFFFFFFF  }
0xa5: {  	s26 =	simm.s32 $execute0_lowered;
	[smem:$0x3FD2] =	sst s25  }
0xa6: {  	s4 =	sshll.u32 s26, $0x1;
	_ =	strace $0x80000049;
	[dreg:$0x1] =	wrdreg $0xFFFFFFFF  }
0xa7: {  	s28 =	simm.s32 $_size_execute0_lowered;
	s2 =	sadd.s32 s2, s4;
	[dreg:$0x0] =	wrdreg $0x0  }
0xa8: {  	s4 =	sshll.u32 s28, $0x1;
	[dreg:$0x2] =	wrdreg s2  }
0xa9: {  	[dreg:$0x3] =	wrdreg s4  }
0xaa: {  	[dreg:$0x4] =	wrdreg $0xC0  }
0xab: {  	_ =	task [dreg:s6], $0x5FFFF  }
0xac: {  	[dreg:$0x1] =	wrdreg $0xFFFFFFFF  }
0xad: {  	[dreg:$0x0] =	wrdreg $0x60  }
0xae: {  	[dreg:$0x2] =	wrdreg s24  }
0xaf: {  	[dreg:$0x3] =	wrdreg $0x9  }
0xb0: {  	_ =	task.clear_ibuf [dreg:s6], $0x4FFFF;
	_ =	strace $0x90000049  }
0xb1: {  	s29 =	simm.s32 $0x9;
	_ =	strace $0x8000004B  }
0xb2: {  	_ =	swait.ge [sflag:s29], $0x1  }
0xb3: {  	[sflag:s29] =	ssyncadd.s32 $0xFFFFFFFF  }
0xb4: {  	_ =	strace $0x9000004B  }
0xb5: {  	_ =	sfence  }
0xb6: {  	s30 =	sld [smem:$0x0];
	_ =	sdelay $0x2  }
0xb7: {  	s31 =	sshll.u32 s1, $0xD;
	s1 =	sshrl.u32 s1, $0x2  }
0xb8: {  	s3 =	sand.u32 $0x4000, s31;
	s1 =	sadd.s32 s1, s30  }
0xb9: {  	s0 =	sor.u32 s3, s0;
	s1 =	sshll.u32 s1, $0x11  }
0xba: {  	s0 =	sor.u32 s1, s0  }
0xbb: {  	s0 =	sadd.s32 $0x8F2B, s0  }
0xbc: {  	[sflag:s0] =	ssyncadd.remote.s32 $0x1  }
0xbd: {  	_ =	sfence.sel $0xFFFF  }
0xbe: {  	[dreg:$0x0] =	wrdreg $0xFFFFFFFF;
	(pc) =	sbr.abs _section_cstart, $3  }
0xbf: {  	[dreg:$0x1] =	wrdreg $0xFFFFFFFF  }
0xc0: {  	_ =	task.clear_ibuf [dreg:s6], $0x2FFFF;
	_ =	strace $0x9FFFFFFF  }
0xc1: {  	(tm) =	ssettm $0x7FFFFFFF  }
tec
execute0_lowered:
.L_overlay_start_1:
0x0: {  	(tag) =	ssettag $0x1  }
0x1: {  	s4 =	rddreg [dreg:$0x0];
	s2 =	srdreg.scid  }
0x2: {  	s0 =	rddreg [dreg:$0x1];
	s1 =	stileid.u32  }
0x3: {  	s9 =	simm.s32 $0x1000;
	s10 =	simm.s32 $0x3000;
	s11 =	simm.s32 $0x1  }
0x4: {  	s12 =	simm.s32 $0x2;
	s13 =	simm.s32 $0x0;
	s5 =	sand.u32 $0x1, s2  }
0x5: {  	s2 =	simm.s32 $0x0;
	s3 =	sshll.u32 s1, $0xD;
	s7 =	sshll.u32 s1, $0x10  }
0x6: {  	s6 =	sshll.u32 s5, $0xC;
	[smem:$0x7FF] =	sst s2;
	s8 =	ssub.s32 $0x2, s5  }
0x7: {  	s7 =	sadd.s32 s7, s4;
	s5 =	sshll.u32 s5, $0xF;
	s6 =	sor.u32 s6, s3  }
0x8: {  	_ =	strace $0x8000004A;
	s3 =	sadd.s32 $0x6600, s4;
	s30 =	sshrl.u32 s8, $0x1  }
0x9: {  	s31 =	sadd.s32 s5, s7;
	s6 =	sshrl.u32 s6, $0x3;
	s8 =	ssub.s32 s8, s30  }
0xa: {  	s7 =	simm.s32 $0x3;
	s6 =	sadd.s32 s6, s4;
	s5 =	smax.u32 s8, $0x1  }
0xb: {  	s8 =	simm.s32 $0x80;
	s4 =	sadd.s32 $0x2600, s6;
	s6 =	sadd.s32 $0x16600, s31  }
.LBB2_1:
0xc: {  	[tilespmem:s2], [sflag:$0x3] =	stream.linear.gather [hbm4b:s4+s2], $0x1000, $0x38;
	[tilespmem:$0x5000] =	vst v63  }
0xd: {  	_ =	swait.ge [sflag:s7], $0x1000  }
0xe: {  	[sflag:s7] =	ssyncset.done $0x0  }
0xf: {  	s14 =	simm.s32 $0x0;
	[sflag:s7] =	ssyncadd.s32 $0xFFFFF000  }
0x10: {  	[tilespmem:s9], [sflag:$0x1] =	stream.indirect.gather [hbm4b:s3+s8], $0x40, s14, s8, $0xb8;
	[tilespmem:$0x5000] =	vst v63  }
0x11: {  	s30 =	simm.s32 $0x80  }
0x12: {  	[tilespmem:s10], [sflag:$0x2] =	stream.indirect.gather [hbm4b:s3+s8], $0x40, s30, s8, $0xb8;
	[tilespmem:$0x5000] =	vst v63  }
0x13: {  	_ =	swait.ge [sflag:s11], $0x2000  }
0x14: {  	[sflag:s11] =	ssyncset.done $0x0  }
0x15: {  	[sflag:s11] =	ssyncadd.s32 $0xFFFFE000  }
0x16: {  	[hbm4b:s6+s2] =	stream.linear.scatter [tilespmem:s9], [sflag:$0x3], $0x2000, $0x38;
	[tilespmem:$0x5000] =	vst v63  }
0x17: {  	_ =	swait.ge [sflag:s7], $0x2000  }
0x18: {  	[sflag:s7] =	ssyncset.done $0x0  }
0x19: {  	[sflag:s7] =	ssyncadd.s32 $0xFFFFE000  }
0x1a: {  	_ =	swait.ge [sflag:s12], $0x2000  }
0x1b: {  	[sflag:s12] =	ssyncset.done $0x0  }
0x1c: {  	s31 =	sadd.s32 $0x400, s6;
	[sflag:s12] =	ssyncadd.s32 $0xFFFFE000  }
0x1d: {  	[hbm4b:s31+s2] =	stream.linear.scatter [tilespmem:s10], [sflag:$0x3], $0x2000, $0x38;
	[tilespmem:$0x5000] =	vst v63  }
0x1e: {  	s15 =	simm.s32 $0x400;
	_ =	swait.ge [sflag:s7], $0x2000  }
0x1f: {  	s16 =	simm.s32 $0x800;
	s14 =	sadd.s32 $0x800, s6;
	[sflag:s7] =	ssyncset.done $0x0  }
.LBB2_2:
0x20: {  	s17 =	sshra.s32 s15, $0x2  }
0x21: {  	[sflag:s7] =	ssyncadd.s32 $0xFFFFE000;
	s15 =	smov.u32 s16;
	s18 =	sadd.s32 $0x400, s16  }
0x22: {  	[tilespmem:s9], [sflag:$0x1] =	stream.indirect.gather [hbm4b:s3+s8], $0x40, s17, s8, $0xb8;
	[tilespmem:$0x5000] =	vst v63  }
0x23: {  	p0 =	sne.s32 s16, $0x3C00;
	s16 =	sadd.s32 $0x80, s17  }
0x24: {  	[tilespmem:s10], [sflag:$0x2] =	stream.indirect.gather [hbm4b:s3+s8], $0x40, s16, s8, $0xb8;
	[tilespmem:$0x5000] =	vst v63  }
0x25: {  	_ =	swait.ge [sflag:s11], $0x2000  }
0x26: {  	[sflag:s11] =	ssyncset.done $0x0  }
0x27: {  	[sflag:s11] =	ssyncadd.s32 $0xFFFFE000  }
0x28: {  	[hbm4b:s14+s2] =	stream.linear.scatter [tilespmem:s9], [sflag:$0x3], $0x2000, $0x38;
	[tilespmem:$0x5000] =	vst v63  }
0x29: {  	_ =	swait.ge [sflag:s7], $0x2000  }
0x2a: {  	[sflag:s7] =	ssyncset.done $0x0  }
0x2b: {  	[sflag:s7] =	ssyncadd.s32 $0xFFFFE000  }
0x2c: {  	_ =	swait.ge [sflag:s12], $0x2000  }
.Ltmp0:
0x2d: {  	[sflag:s12] =	ssyncset.done $0x0;
	(pc) =	sbr.rel @p0 .LBB2_2-.Ltmp0, $4  }
0x2e: {  	s16 =	sadd.s32 $0x400, s14;
	[sflag:s12] =	ssyncadd.s32 $0xFFFFE000  }
0x2f: {  	[hbm4b:s16+s2] =	stream.linear.scatter [tilespmem:s10], [sflag:$0x3], $0x2000, $0x38;
	[tilespmem:$0x5000] =	vst v63  }
0x30: {  	_ =	swait.ge [sflag:s7], $0x2000  }
0x31: {  	s14 =	sadd.s32 $0x800, s14;
	s16 =	smov.u32 s18;
	[sflag:s7] =	ssyncset.done $0x0  }
0x32: {  	s15 =	sshra.s32 s15, $0x2;
	[sflag:s7] =	ssyncadd.s32 $0xFFFFE000  }
0x33: {  	[tilespmem:s9], [sflag:$0x1] =	stream.indirect.gather [hbm4b:s3+s8], $0x40, s15, s8, $0xb8;
	[tilespmem:$0x5000] =	vst v63  }
0x34: {  	s15 =	sadd.s32 $0x80, s15  }
0x35: {  	[tilespmem:s10], [sflag:$0x2] =	stream.indirect.gather [hbm4b:s3+s8], $0x40, s15, s8, $0xb8;
	[tilespmem:$0x5000] =	vst v63  }
0x36: {  	_ =	swait.ge [sflag:s11], $0x2000  }
0x37: {  	[sflag:s11] =	ssyncset.done $0x0  }
0x38: {  	[sflag:s11] =	ssyncadd.s32 $0xFFFFE000  }
0x39: {  	[hbm4b:s14+s2] =	stream.linear.scatter [tilespmem:s9], [sflag:$0x3], $0x2000, $0x38;
	[tilespmem:$0x5000] =	vst v63  }
0x3a: {  	_ =	swait.ge [sflag:s7], $0x2000  }
0x3b: {  	[sflag:s7] =	ssyncset.done $0x0  }
0x3c: {  	[sflag:s7] =	ssyncadd.s32 $0xFFFFE000  }
0x3d: {  	s13 =	sadd.s32 $0x1, s13;
	_ =	swait.ge [sflag:s12], $0x2000  }
0x3e: {  	p0 =	sne.s32 s13, s5;
	[sflag:s12] =	ssyncset.done $0x0  }
.Ltmp1:
0x3f: {  	s31 =	sadd.s32 $0x400, s14;
	[sflag:s12] =	ssyncadd.s32 $0xFFFFE000;
	(pc) =	sbr.rel @p0 .LBB2_1-.Ltmp1, $4  }
0x40: {  	[hbm4b:s31+s2] =	stream.linear.scatter [tilespmem:s10], [sflag:$0x3], $0x2000, $0x38;
	[tilespmem:$0x5000] =	vst v63  }
0x41: {  	_ =	swait.ge [sflag:s7], $0x2000  }
0x42: {  	[sflag:s7] =	ssyncset.done $0x0  }
0x43: {  	[sflag:s7] =	ssyncadd.s32 $0xFFFFE000  }
0x44: {  	_ =	sfence.sel $0x180000  }
0x45: {  	[bflag:$0x0] =	sbarrier.arrive $0xFFFF  }
0x46: {  	p0 =	sne.s32 s1, $0x0;
	_ =	strace $0x9000004A  }
0x47: {  	s0 =	sadd.s32 @!p0 $0x100000, s0;
	[bflag:$0x2] =	sbarrier.arrive $0xFFFF  }
0x48: {  	[sflag:s0] =	ssyncadd.tile.s32 @!p0 $0x1;
	_ =	shalt  }
.Lfunc_end2:
_tile_overlayer_lowered:
.L_overlay_start_2:
0x49: {  	(tag) =	ssettag $0x2  }
0x4a: {  	s0 =	rddreg [dreg:$0x0];
	s2 =	stileid.u32  }
0x4b: {  	s1 =	rddreg [dreg:$0x1];
	p0 =	sne.s32 s2, $0x0  }
0x4c: {  	s3 =	rddreg [dreg:$0x2];
	[bflag:$0x3] =	sbarrier.arrive $0xFFFF;
	s2 =	simm.s32 @!p0 $0x1C03  }
0x4d: {  	[timem:s3], [sflag:s2] =	dma.local @!p0 [hbm:s0], s1  }
0x4e: {  	s0 =	simm.s32 @!p0 $0x3  }
0x4f: {  	_ =	swait.ge @!p0 [sflag:s0], s1  }
0x50: {  	s1 =	ssub.s32 @!p0 $0x0, s1;
	[sflag:s0] =	ssyncset.done @!p0 $0x0  }
0x51: {  	[sflag:s0] =	ssyncadd.s32 @!p0 s1  }
0x52: {  	[bflag:$0x3] =	sbarrier.arrive $0xFFFF  }
0x53: {  	_ =	shalt  }

// kernel: kernel.7.cloned.1.call-start
scs
__scs_entry_jumppad:
0x0: {  	(pc) =	sbr.rel $0x88, $3  }
0x1: {  	(tag) =	ssettag $0x0;
	lr =	simm.s32 $0x1  }
0x2: {  	[smem:$0x3F94] =	sst lr;
	_ =	strace $0xD0000000  }
0x3: {  	_ = 	snop  }
0x4: {  	_ = 	snop  }
0x5: {  	_ = 	snop  }
0x6: {  	_ = 	snop  }
0x7: {  	_ = 	snop  }
__scs_overlays_trampoline_lowered:
0x8: {  	[smem:$0x3FA3] =	sst s0  }
0x9: {  	[smem:$0x3FA4] =	sst s1  }
0xa: {  	[smem:$0x3FA5] =	sst s2  }
0xb: {  	[smem:$0x3FA6] =	sst s3  }
0xc: {  	[smem:$0x3FA7] =	sst s4  }
0xd: {  	[smem:$0x3FA8] =	sst s5  }
0xe: {  	[smem:$0x3FA9] =	sst s6  }
0xf: {  	[smem:$0x3FAA] =	sst s7  }
0x10: {  	[smem:$0x3FAB] =	sst s8  }
0x11: {  	[smem:$0x3FAC] =	sst s9;
	s0 =	simm.s32 @!p0 $0x0  }
0x12: {  	s1 =	sld [smem:$0x3F92];
	s0 =	simm.s32 @p0 $0x1  }
0x13: {  	[smem:$0x3FAD] =	sst s0;
	s0 =	simm.s32 @!p1 $0x0  }
0x14: {  	s2 =	sld [smem:$0x3F91];
	s0 =	simm.s32 @p1 $0x1  }
0x15: {  	[smem:$0x3FAE] =	sst s0;
	s0 =	simm.s32 @!p2 $0x0  }
0x16: {  	s3 =	sld [smem:$0x3FDB];
	s0 =	simm.s32 @p2 $0x1  }
0x17: {  	s4 =	simm.s32 $0x1BF5;
	[smem:$0x3FB0] =	sst s0  }
0x18: {  	s0 =	sld [smem:$0x3F93];
	_ =	swait.ge [sflag:s4], $0x0  }
0x19: {  	s7 =	sld [smem:$0x3F94]  }
0x1a: {  	s8 =	sadd.s32 $0xFFFFE003, lr  }
0x1b: {  	s9 =	sadd.s32 $0xFFFFFEF7, lr;
	s5 =	simm.s32 $0xFFFFFFFF;
	p2 =	slt.u32 s8, $0xFFFFF086  }
0x1c: {  	p1 =	slt.u32 s9, $0xF7A;
	s5 =	simm.s32 @!p2 $0x0  }
0x1d: {  	s5 =	simm.s32 @p1 $0x1;
	p0 =	seq.s32 s7, s2  }
0x1e: {  	s7 =	smul.u32 @!p0 $0xF7A, s2;
	p2 =	seq.s32 @!p0 s5, $0x0  }
0x1f: {  	s9 =	smul.u32 $0xF7A, s1;
	s8 =	simm.s32 @!p0 $0x1BF5;
	p2 =	por !p2, p0  }
0x20: {  	[sflag:s8] =	ssyncset.s32 @!p0 $0xFFFFF086;
	s6 =	sadd.s32 @!p0 s3, s7;
	s7 =	simm.s32 @!p0 $0x108  }
0x21: {  	s3 =	sadd.s32 s3, s9;
	s6 =	sadd.s32 @!p0 $0x88, s6;
	s7 =	simm.s32 @p2 $0x1082  }
0x22: {  	[simem:s7], [sflag:s8] =	dma.local @!p0 [hbm:s6], $0xF7A  }
0x23: {  	s9 =	sor.u32 $0xD0000000, s2;
	s6 =	simm.s32 $0x108;
	_ =	swait.ge @!p0 [sflag:s8], $0x0  }
0x24: {  	s3 =	sadd.s32 $0x88, s3;
	s6 =	simm.s32 @!p1 $0x1082;
	[sflag:s4] =	ssyncset.s32 $0xFFFFF086  }
0x25: {  	[simem:s6], [sflag:s4] =	dma.local [hbm:s3], $0xF7A  }
0x26: {  	[smem:$0x3F94] =	sst s1;
	(tag) =	ssettag s2;
	_ =	strace s9  }
0x27: {  	s1 =	sld [smem:$0x3FA4]  }
0x28: {  	s2 =	sld [smem:$0x3FA5]  }
0x29: {  	s4 =	sld [smem:$0x3FA7]  }
0x2a: {  	p0 =	seq.s32 s5, $0x0;
	s5 =	sld [smem:$0x3FA8]  }
0x2b: {  	s6 =	sld [smem:$0x3FA9]  }
0x2c: {  	s7 =	sld [smem:$0x3FAA]  }
0x2d: {  	s3 =	simm.s32 $0x108;
	s8 =	sld [smem:$0x3FAB]  }
0x2e: {  	s3 =	simm.s32 @!p0 $0x1082;
	s9 =	sld [smem:$0x3FAC]  }
0x2f: {  	lr =	sadd.s32 s0, s3;
	s0 =	sld [smem:$0x3FA3]  }
0x30: {  	s3 =	sld [smem:$0x3FA6]  }
0x31: {  	[smem:$0x3FAF] =	sst s10  }
0x32: {  	s10 =	sld [smem:$0x3FAD];
	_ =	sdelay $0x3  }
0x33: {  	p0 =	seq.s32 s10, $0x1;
	s10 =	sld [smem:$0x3FAF];
	_ =	sdelay $0x3  }
0x34: {  	[smem:$0x3FAF] =	sst s10  }
0x35: {  	s10 =	sld [smem:$0x3FAE];
	_ =	sdelay $0x3  }
0x36: {  	p1 =	seq.s32 s10, $0x1;
	s10 =	sld [smem:$0x3FAF];
	_ =	sdelay $0x3  }
0x37: {  	[smem:$0x3FAF] =	sst s10  }
0x38: {  	s10 =	sld [smem:$0x3FB0]  }
0x39: {  	_ = 	snop;
	(pc) =	sbr.ind lr, $3  }
0x3a: {  	_ = 	snop  }
0x3b: {  	_ = 	snop  }
0x3c: {  	p2 =	seq.s32 s10, $0x1;
	s10 =	sld [smem:$0x3FAF]  }
0x3d: {  	_ =	shalt  }
0x3e: {  	_ =	shalt  }
0x3f: {  	_ =	shalt  }
0x40: {  	_ =	shalt  }
0x41: {  	_ =	shalt  }
0x42: {  	_ =	shalt  }
0x43: {  	_ =	shalt  }
0x44: {  	_ =	shalt  }
0x45: {  	_ =	shalt  }
0x46: {  	_ =	shalt  }
0x47: {  	_ =	shalt  }
0x48: {  	_ =	shalt  }
0x49: {  	_ =	shalt  }
0x4a: {  	_ =	shalt  }
0x4b: {  	_ =	shalt  }
0x4c: {  	_ =	shalt  }
0x4d: {  	_ =	shalt  }
0x4e: {  	_ =	shalt  }
0x4f: {  	_ =	shalt  }
0x50: {  	_ =	shalt  }
0x51: {  	_ =	shalt  }
0x52: {  	_ =	shalt  }
0x53: {  	_ =	shalt  }
0x54: {  	_ =	shalt  }
0x55: {  	_ =	shalt  }
0x56: {  	_ =	shalt  }
0x57: {  	_ =	shalt  }
0x58: {  	_ =	shalt  }
0x59: {  	_ =	shalt  }
0x5a: {  	_ =	shalt  }
0x5b: {  	_ =	shalt  }
0x5c: {  	_ =	shalt  }
0x5d: {  	_ =	shalt  }
0x5e: {  	_ =	shalt  }
0x5f: {  	_ =	shalt  }
0x60: {  	_ =	shalt  }
0x61: {  	_ =	shalt  }
0x62: {  	_ =	shalt  }
0x63: {  	_ =	shalt  }
0x64: {  	_ =	shalt  }
0x65: {  	_ =	shalt  }
0x66: {  	_ =	shalt  }
0x67: {  	_ =	shalt  }
0x68: {  	_ =	shalt  }
0x69: {  	_ =	shalt  }
0x6a: {  	_ =	shalt  }
0x6b: {  	_ =	shalt  }
0x6c: {  	_ =	shalt  }
0x6d: {  	_ =	shalt  }
0x6e: {  	_ =	shalt  }
0x6f: {  	_ =	shalt  }
0x70: {  	_ =	shalt  }
0x71: {  	_ =	shalt  }
0x72: {  	_ =	shalt  }
0x73: {  	_ =	shalt  }
0x74: {  	_ =	shalt  }
0x75: {  	_ =	shalt  }
0x76: {  	_ =	shalt  }
0x77: {  	_ =	shalt  }
0x78: {  	_ =	shalt  }
0x79: {  	_ =	shalt  }
0x7a: {  	_ =	shalt  }
0x7b: {  	_ =	shalt  }
0x7c: {  	_ =	shalt  }
0x7d: {  	_ =	shalt  }
0x7e: {  	_ =	shalt  }
0x7f: {  	_ =	shalt  }
0x80: {  	_ =	shalt  }
0x81: {  	_ =	shalt  }
0x82: {  	_ =	shalt  }
0x83: {  	_ =	shalt  }
0x84: {  	_ =	shalt  }
0x85: {  	_ =	shalt  }
0x86: {  	_ =	shalt  }
0x87: {  	_ =	shalt  }
.Lfunc_end0:
.L_simem_size_0:
called_computation_lowered:
.L_overlay_start_0:
0x88: {  	s2 =	sld [smem:$0x3FD9]  }
0x89: {  	s3 =	sld [smem:$0x3FFE];
	_ =	sdelay $0x1  }
0x8a: {  	s1 =	srdreg.scid  }
0x8b: {  	s0 =	sand.u32 $0x1, s1  }
0x8c: {  	s16 =	sshll.u32 s0, $0xA;
	s2 =	sadd.s32 s3, s2  }
0x8d: {  	s2 =	sadd.s32 s2, s16  }
0x8e: {  	[smem:$0x3FBB] =	sst s2  }
0x8f: {  	_ = 	snop  }
0x90: {  	(tm) =	ssettm $0x1  }
0x91: {  	s17 =	sld [smem:$0x3FFB];
	_ =	sdelay $0x3  }
0x92: {  	_ =	strace s17  }
0x93: {  	s2 =	sld [smem:$0x3FFC];
	_ =	sdelay $0x3  }
0x94: {  	_ =	strace s2  }
0x95: {  	s2 =	sld [smem:$0x3FFD];
	_ =	sdelay $0x3  }
0x96: {  	_ =	strace s2  }
0x97: {  	_ =	strace $0x8FFFFFFF  }
0x98: {  	s18 =	sld [smem:$0x3FDB];
	_ =	sdelay $0x1  }
0x99: {  	s19 =	simm.s32 $_scs_section_size  }
0x9a: {  	s4 =	simm.s32 $_size__tile_overlayer_lowered;
	s5 =	simm.s32 $_tile_overlayer_lowered  }
0x9b: {  	s22 =	simm.s32 $0x1BFF;
	s21 =	sshll.u32 s5, $0x1;
	s2 =	sadd.s32 s19, s18  }
0x9c: {  	s6 =	simm.s32 $0x0;
	s20 =	sshll.u32 s4, $0x1;
	s4 =	sadd.s32 s21, s2  }
0x9d: {  	[timem:s6], [sflag:s22] =	dma.local [hbm:s4], s20  }
0x9e: {  	_ =	swait.ge [sflag:s22], s20  }
0x9f: {  	s3 =	ssub.s32 $0x0, s20;
	[sflag:s22] =	ssyncset.done $0x0  }
0xa0: {  	[sflag:s22] =	ssyncadd.s32 s3;
	_ =	sdelay $0x1  }
0xa1: {  	s23 =	simm.s32 $0x1B8B  }
0xa2: {  	_ =	swait.ge [sflag:s23], $0x1  }
0xa3: {  	[sflag:s23] =	ssyncset.done $0x0  }
0xa4: {  	s25 =	simm.s32 $0x1B8E;
	s24 =	sld [smem:$0x3FFE];
	[sflag:s23] =	ssyncadd.s32 $0xFFFFFFFF  }
0xa5: {  	s26 =	simm.s32 $execute0_lowered;
	[smem:$0x3FD2] =	sst s25  }
0xa6: {  	s4 =	sshll.u32 s26, $0x1;
	_ =	strace $0x80000046;
	[dreg:$0x1] =	wrdreg $0xFFFFFFFF  }
0xa7: {  	s28 =	simm.s32 $_size_execute0_lowered;
	s2 =	sadd.s32 s2, s4;
	[dreg:$0x0] =	wrdreg $0x0  }
0xa8: {  	s4 =	sshll.u32 s28, $0x1;
	[dreg:$0x2] =	wrdreg s2  }
0xa9: {  	[dreg:$0x3] =	wrdreg s4  }
0xaa: {  	[dreg:$0x4] =	wrdreg $0xC0  }
0xab: {  	_ =	task [dreg:s6], $0x5FFFF  }
0xac: {  	[dreg:$0x1] =	wrdreg $0xFFFFFFFF  }
0xad: {  	[dreg:$0x0] =	wrdreg $0x60  }
0xae: {  	[dreg:$0x2] =	wrdreg s24  }
0xaf: {  	[dreg:$0x3] =	wrdreg $0x9  }
0xb0: {  	_ =	task.clear_ibuf [dreg:s6], $0x4FFFF;
	_ =	strace $0x90000046  }
0xb1: {  	s29 =	simm.s32 $0x9;
	_ =	strace $0x80000048  }
0xb2: {  	_ =	swait.ge [sflag:s29], $0x1  }
0xb3: {  	[sflag:s29] =	ssyncadd.s32 $0xFFFFFFFF  }
0xb4: {  	_ =	strace $0x90000048  }
0xb5: {  	_ =	sfence  }
0xb6: {  	s30 =	sld [smem:$0x0];
	_ =	sdelay $0x2  }
0xb7: {  	s31 =	sshll.u32 s1, $0xD;
	s1 =	sshrl.u32 s1, $0x2  }
0xb8: {  	s3 =	sand.u32 $0x4000, s31;
	s1 =	sadd.s32 s1, s30  }
0xb9: {  	s0 =	sor.u32 s3, s0;
	s1 =	sshll.u32 s1, $0x11  }
0xba: {  	s0 =	sor.u32 s1, s0  }
0xbb: {  	s0 =	sadd.s32 $0x8F2B, s0  }
0xbc: {  	[sflag:s0] =	ssyncadd.remote.s32 $0x1  }
0xbd: {  	_ =	sfence.sel $0xFFFF  }
0xbe: {  	[dreg:$0x0] =	wrdreg $0xFFFFFFFF;
	(pc) =	sbr.abs _section_cstart, $3  }
0xbf: {  	[dreg:$0x1] =	wrdreg $0xFFFFFFFF  }
0xc0: {  	_ =	task.clear_ibuf [dreg:s6], $0x2FFFF;
	_ =	strace $0x9FFFFFFF  }
0xc1: {  	(tm) =	ssettm $0x7FFFFFFF  }
tec
execute0_lowered:
.L_overlay_start_1:
0x0: {  	(tag) =	ssettag $0x1  }
0x1: {  	s4 =	rddreg [dreg:$0x0];
	s2 =	srdreg.scid  }
0x2: {  	s0 =	rddreg [dreg:$0x1];
	s1 =	stileid.u32  }
0x3: {  	s9 =	simm.s32 $0x1000;
	s10 =	simm.s32 $0x1800;
	s11 =	simm.s32 $0x1  }
0x4: {  	s12 =	simm.s32 $0x2;
	s13 =	simm.s32 $0x0;
	s5 =	sand.u32 $0x1, s2  }
0x5: {  	s2 =	simm.s32 $0x0;
	s3 =	sshll.u32 s1, $0xD;
	s7 =	sshll.u32 s1, $0xE  }
0x6: {  	s6 =	sshll.u32 s5, $0xC;
	[smem:$0x7FF] =	sst s2;
	s8 =	ssub.s32 $0x2, s5  }
0x7: {  	s7 =	sadd.s32 s7, s4;
	s5 =	sshll.u32 s5, $0xD;
	s6 =	sor.u32 s6, s3  }
0x8: {  	_ =	strace $0x80000047;
	s3 =	sadd.s32 $0x6600, s4;
	s30 =	sshrl.u32 s8, $0x1  }
0x9: {  	s31 =	sadd.s32 s5, s7;
	s6 =	sshrl.u32 s6, $0x3;
	s8 =	ssub.s32 s8, s30  }
0xa: {  	s7 =	simm.s32 $0x3;
	s6 =	sadd.s32 s6, s4;
	s5 =	smax.u32 s8, $0x1  }
0xb: {  	s8 =	simm.s32 $0x80;
	s4 =	sadd.s32 $0x2600, s6;
	s6 =	sadd.s32 $0xA600, s31  }
.LBB2_1:
0xc: {  	[tilespmem:s2], [sflag:$0x3] =	stream.linear.gather [hbm4b:s4+s2], $0x1000, $0x38;
	[tilespmem:$0x2000] =	vst v63  }
0xd: {  	_ =	swait.ge [sflag:s7], $0x1000  }
0xe: {  	[sflag:s7] =	ssyncset.done $0x0  }
0xf: {  	[sflag:s7] =	ssyncadd.s32 $0xFFFFF000  }
0x10: {  	[tilespmem:s9], [sflag:$0x1] =	stream.indirect.gather [hbm4b:s3+s8], $0x10, s2, s8, $0xb8;
	[tilespmem:$0x2000] =	vst v63  }
0x11: {  	s14 =	simm.s32 $0x80  }
0x12: {  	[tilespmem:s10], [sflag:$0x2] =	stream.indirect.gather [hbm4b:s3+s8], $0x10, s14, s8, $0xb8;
	[tilespmem:$0x2000] =	vst v63  }
0x13: {  	_ =	swait.ge [sflag:s11], $0x800  }
0x14: {  	[sflag:s11] =	ssyncset.done $0x0  }
0x15: {  	s31 =	sadd.s32 $0x0, s6;
	[sflag:s11] =	ssyncadd.s32 $0xFFFFF800  }
0x16: {  	[hbm4b:s31+s2] =	stream.linear.scatter [tilespmem:s9], [sflag:$0x3], $0x800, $0x38;
	[tilespmem:$0x2000] =	vst v63  }
0x17: {  	_ =	swait.ge [sflag:s7], $0x800  }
0x18: {  	[sflag:s7] =	ssyncset.done $0x0  }
0x19: {  	[sflag:s7] =	ssyncadd.s32 $0xFFFFF800  }
0x1a: {  	_ =	swait.ge [sflag:s12], $0x800  }
0x1b: {  	[sflag:s12] =	ssyncset.done $0x0  }
0x1c: {  	s14 =	sadd.s32 $0x100, s31;
	[sflag:s12] =	ssyncadd.s32 $0xFFFFF800  }
0x1d: {  	[hbm4b:s14+s2] =	stream.linear.scatter [tilespmem:s10], [sflag:$0x3], $0x800, $0x38;
	[tilespmem:$0x2000] =	vst v63  }
0x1e: {  	_ =	swait.ge [sflag:s7], $0x800  }
0x1f: {  	s15 =	simm.s32 $0x0;
	s14 =	simm.s32 $0x200;
	[sflag:s7] =	ssyncset.done $0x0  }
.LBB2_2:
0x20: {  	p0 =	sne.s32 s14, $0x1E00;
	[sflag:s7] =	ssyncadd.s32 $0xFFFFF800;
	s15 =	sadd.s32 $0x100, s15  }
0x21: {  	[tilespmem:s9], [sflag:$0x1] =	stream.indirect.gather [hbm4b:s3+s8], $0x10, s15, s8, $0xb8;
	[tilespmem:$0x2000] =	vst v63  }
0x22: {  	s17 =	smov.u32 s14;
	s14 =	sadd.s32 $0x200, s14;
	s16 =	sadd.s32 $0x80, s15  }
0x23: {  	[tilespmem:s10], [sflag:$0x2] =	stream.indirect.gather [hbm4b:s3+s8], $0x10, s16, s8, $0xb8;
	[tilespmem:$0x2000] =	vst v63  }
0x24: {  	_ =	swait.ge [sflag:s11], $0x800  }
0x25: {  	[sflag:s11] =	ssyncset.done $0x0  }
0x26: {  	s16 =	sadd.s32 s17, s6;
	[sflag:s11] =	ssyncadd.s32 $0xFFFFF800  }
0x27: {  	[hbm4b:s16+s2] =	stream.linear.scatter [tilespmem:s9], [sflag:$0x3], $0x800, $0x38;
	[tilespmem:$0x2000] =	vst v63  }
0x28: {  	_ =	swait.ge [sflag:s7], $0x800  }
0x29: {  	[sflag:s7] =	ssyncset.done $0x0  }
0x2a: {  	[sflag:s7] =	ssyncadd.s32 $0xFFFFF800  }
0x2b: {  	_ =	swait.ge [sflag:s12], $0x800  }
.Ltmp0:
0x2c: {  	[sflag:s12] =	ssyncset.done $0x0;
	(pc) =	sbr.rel @p0 .LBB2_2-.Ltmp0, $4  }
0x2d: {  	s16 =	sadd.s32 $0x100, s16;
	[sflag:s12] =	ssyncadd.s32 $0xFFFFF800  }
0x2e: {  	[hbm4b:s16+s2] =	stream.linear.scatter [tilespmem:s10], [sflag:$0x3], $0x800, $0x38;
	[tilespmem:$0x2000] =	vst v63  }
0x2f: {  	_ =	swait.ge [sflag:s7], $0x800  }
0x30: {  	[sflag:s7] =	ssyncset.done $0x0  }
0x31: {  	s13 =	sadd.s32 $0x1, s13  }
0x32: {  	p0 =	sne.s32 s13, s5  }
.Ltmp1:
0x33: {  	_ = 	snop;
	(pc) =	sbr.rel @p0 .LBB2_1-.Ltmp1, $2  }
0x34: {  	_ =	sdelay $0x2  }
0x35: {  	[sflag:s7] =	ssyncadd.s32 $0xFFFFF800  }
0x36: {  	_ =	sfence.sel $0x180000  }
0x37: {  	[bflag:$0x0] =	sbarrier.arrive $0xFFFF  }
0x38: {  	p0 =	sne.s32 s1, $0x0;
	_ =	strace $0x90000047  }
0x39: {  	s0 =	sadd.s32 @!p0 $0x100000, s0;
	[bflag:$0x2] =	sbarrier.arrive $0xFFFF  }
0x3a: {  	[sflag:s0] =	ssyncadd.tile.s32 @!p0 $0x1;
	_ =	shalt  }
.Lfunc_end2:
_tile_overlayer_lowered:
.L_overlay_start_2:
0x3b: {  	(tag) =	ssettag $0x2  }
0x3c: {  	s0 =	rddreg [dreg:$0x0];
	s2 =	stileid.u32  }
0x3d: {  	s1 =	rddreg [dreg:$0x1];
	p0 =	sne.s32 s2, $0x0  }
0x3e: {  	s3 =	rddreg [dreg:$0x2];
	[bflag:$0x3] =	sbarrier.arrive $0xFFFF;
	s2 =	simm.s32 @!p0 $0x1C03  }
0x3f: {  	[timem:s3], [sflag:s2] =	dma.local @!p0 [hbm:s0], s1  }
0x40: {  	s0 =	simm.s32 @!p0 $0x3  }
0x41: {  	_ =	swait.ge @!p0 [sflag:s0], s1  }
0x42: {  	s1 =	ssub.s32 @!p0 $0x0, s1;
	[sflag:s0] =	ssyncset.done @!p0 $0x0  }
0x43: {  	[sflag:s0] =	ssyncadd.s32 @!p0 s1  }
0x44: {  	[bflag:$0x3] =	sbarrier.arrive $0xFFFF  }
0x45: {  	_ =	shalt  }

</sc_bundles>
